<compile_context>
chip_gen: v7x
topology: tpu7x:2x2x1
jax: 0.10.2.dev20260603
libtpu: 0.0.44.dev20260713+nightly
codegen_flags: <defaults>
</compile_context>

<pallas_src>
import jax
import jax.numpy as jnp
import numpy as np
from jax import lax
from jax.experimental import pallas as pl
from jax.experimental.pallas import tpu as pltpu
from jax.experimental.pallas import tpu_sc as plsc

N = 16384
M = 16384
NNZ = 2684354
B = 8

NUM_CORES = 2
NUM_SUBCORES = 16
NUM_WORKERS = NUM_CORES * NUM_SUBCORES
QUADS = 2
CHUNKS = NUM_WORKERS // QUADS
VEC = 16

CH = 2048
STEPS = -(-NNZ // (CHUNKS * CH))
CPW = STEPS * CH
NNZ_PAD = CHUNKS * CPW

_HI = np.uint32(0xFFFF0000)


TPC = CH // 128


def _sc_body(xp_hbm, ind_hbm, val_hbm, part_hbm,
             xa_v, xb_v, acc0_v, acc1_v, acc2_v, acc3_v,
             sd_b0, sd_b1, val_b0, val_b1,
             sem_s0, sem_s1, sem_v0, sem_v1):
    c = lax.axis_index("c")
    s = lax.axis_index("s")
    wid = s * NUM_CORES + c
    quad = wid % QUADS
    chunk = wid // QUADS
    base = chunk * CPW

    sd_bufs = (sd_b0, sd_b1)
    val_bufs = (val_b0, val_b1)
    sems = ((sem_s0, sem_v0), (sem_s1, sem_v1))
    accs = (acc0_v, acc1_v, acc2_v, acc3_v)
    tbase = chunk * (CPW // 128)

    pltpu.sync_copy(xp_hbm.at[2 * quad], xa_v)
    pltpu.sync_copy(xp_hbm.at[2 * quad + 1], xb_v)

    zeros = jnp.zeros((VEC,), jnp.float32)

    @pl.loop(0, M // VEC, unroll=8)
    def _zero(i):
        acc0_v[pl.ds(i * VEC, VEC)] = zeros
        acc1_v[pl.ds(i * VEC, VEC)] = zeros
        acc2_v[pl.ds(i * VEC, VEC)] = zeros
        acc3_v[pl.ds(i * VEC, VEC)] = zeros

    def issue(g, bi):
        off = base + g * CH
        pltpu.make_async_copy(ind_hbm.at[pl.ds(tbase + g * TPC, TPC)],
                              sd_bufs[bi], sems[bi][0]).start()
        pltpu.make_async_copy(val_hbm.at[pl.ds(off, CH)], val_bufs[bi],
                              sems[bi][1]).start()

    def wait(bi):
        pltpu.make_async_copy(ind_hbm.at[pl.ds(0, TPC)], sd_bufs[bi],
                              sems[bi][0]).wait()
        pltpu.make_async_copy(val_hbm.at[pl.ds(0, CH)], val_bufs[bi],
                              sems[bi][1]).wait()

    def process(bi):
        sd, vb = sd_bufs[bi], val_bufs[bi]

        @pl.loop(0, TPC)
        def _tiles(t):

            @plsc.parallel_loop(0, 128, step=VEC, unroll=8)
            def _inner(j):
                si = sd[t, 0, pl.ds(j, VEC)]
                di = sd[t, 1, pl.ds(j, VEC)]
                v = vb[pl.ds(t * 128 + j, VEC)]
                for k, xt in enumerate((xa_v, xb_v)):
                    xg = plsc.load_gather(xt, [si])
                    u = plsc.bitcast(xg, jnp.uint32)
                    xhi = plsc.bitcast(u & _HI, jnp.float32)
                    xlo = plsc.bitcast(u << 16, jnp.float32)
                    plsc.addupdate_scatter(accs[2 * k], [di], v * xhi)
                    plsc.addupdate_scatter(accs[2 * k + 1], [di], v * xlo)

    issue(0, 0)

    @pl.loop(0, STEPS, step=2)
    def _outer(g):
        issue(g + 1, 1)
        wait(0)
        process(0)

        @pl.when(g + 2 < STEPS)
        def _():
            issue(g + 2, 0)

        wait(1)
        process(1)

    pltpu.sync_copy(acc0_v, part_hbm.at[chunk, 4 * quad])
    pltpu.sync_copy(acc1_v, part_hbm.at[chunk, 4 * quad + 1])
    pltpu.sync_copy(acc2_v, part_hbm.at[chunk, 4 * quad + 2])
    pltpu.sync_copy(acc3_v, part_hbm.at[chunk, 4 * quad + 3])


_sc_call = pl.kernel(
    _sc_body,
    out_type=jax.ShapeDtypeStruct((CHUNKS, B, M), jnp.float32),
    mesh=plsc.VectorSubcoreMesh(core_axis_name="c", subcore_axis_name="s",
                                num_cores=NUM_CORES,
                                num_subcores=NUM_SUBCORES),
    compiler_params=pltpu.CompilerParams(use_tc_tiling_on_sc=False,
                                         needs_layout_passes=False),
    scratch_types=[
        pltpu.VMEM((N,), jnp.float32),
        pltpu.VMEM((N,), jnp.float32),
        pltpu.VMEM((M,), jnp.float32),
        pltpu.VMEM((M,), jnp.float32),
        pltpu.VMEM((M,), jnp.float32),
        pltpu.VMEM((M,), jnp.float32),
        pltpu.VMEM((TPC, 2, 128), jnp.int32),
        pltpu.VMEM((TPC, 2, 128), jnp.int32),
        pltpu.VMEM((CH,), jnp.float32),
        pltpu.VMEM((CH,), jnp.float32),
        pltpu.SemaphoreType.DMA,
        pltpu.SemaphoreType.DMA,
        pltpu.SemaphoreType.DMA,
        pltpu.SemaphoreType.DMA,
    ],
)


def _reduce_body(p_ref, bias_ref, o_ref):
    acc = p_ref[0]
    for k in range(1, CHUNKS):
        acc = acc + p_ref[k]
    o_ref[...] = acc + bias_ref[...]


_reduce_call = pl.pallas_call(
    _reduce_body,
    out_shape=jax.ShapeDtypeStruct((B, 128, 128), jnp.float32),
)


@jax.jit
def kernel(x, values, bias, indices):
    x2 = x[..., 0]
    xu = lax.bitcast_convert_type(x2.astype(jnp.bfloat16),
                                  jnp.uint16).astype(jnp.uint32)
    xp = lax.bitcast_convert_type((xu[0::2] << 16) | xu[1::2], jnp.float32)
    pad = NNZ_PAD - NNZ
    ind_p = jnp.pad(indices, ((0, 0), (0, pad)))
    ind_t = ind_p.reshape(2, NNZ_PAD // 128, 128).transpose(1, 0, 2)
    val_p = jnp.pad(values, (0, pad))
    partials = _sc_call(xp, ind_t, val_p)
    out2 = _reduce_call(partials.reshape(CHUNKS, B, 128, 128),
                        bias.reshape(1, 128, 128))
    return out2.reshape(B, M, 1)

# --- scband reference (transcript-rebuilt; emitter-appended) ---
"""Pipeline reference for scband-sparse-linear-40278203302401 (READ-ONLY COPY).

The authoritative reference and input builder live on the scoring server;
editing this copy changes nothing except your own understanding.
"""

import jax, jax.numpy as jnp
import numpy as np

N = 16384
M = 16384
NNZ = 2684354
B = 8
D = 16384


def setup_inputs(seed: int = 0) -> dict:
    key = jax.random.key(seed)
    k1, k2, k3 = jax.random.split(key, 3)
    # COO indices: row 0 = src (index into N), row 1 = dst (index into M)
    indices = jax.random.randint(k1, (2, NNZ), 0, N, dtype=jnp.int32)
    # Kaiming init since d was provided
    values = jax.random.normal(k2, (NNZ,), dtype=jnp.float32) * (2.0 / D) ** 0.5
    bias = jnp.zeros((M, 1), dtype=jnp.float32)
    x = jax.random.normal(k3, (B, N, 1), dtype=jnp.float32)
    return {"x": x, "values": values, "bias": bias, "indices": indices}


def reference(x, values, bias, indices):
    # Faithful translation of batching='loop':
    #   out_b = sparse.mm(W.T, x_b) + bias, where W is sparse COO (N, M)
    #   (W.T x)[m] = sum over nnz entries e with dst[e]==m of values[e] * x[src[e]]
    src = indices[0]
    dst = indices[1]

    def per_batch(xb):
        gathered = values * xb[src, 0]  # gather from x by src index
        out = jax.ops.segment_sum(gathered, dst, num_segments=M)  # scatter-add by dst
        return out[:, None] + bias  # (M, 1)

    return jax.vmap(per_batch)(x)  # (B, M, 1)

if __name__ == "__main__":
    import jax
    _d = setup_inputs()
    print(jax.jit(kernel)(*tuple(_d.values())))

</pallas_src>

<mosaic_0001>
#map = affine_map<(d0, d1) -> (0, 0)>
#map1 = affine_map<(d0, d1) -> (0, 0, 0)>
#map2 = affine_map<(d0, d1) -> (0)>
module attributes {stable_mosaic.version = 14 : i64} {
  func.func @_sc_body(%arg0: i32, %arg1: i32, %arg2: memref<4x16384xf32, #tpu.memory_space<hbm>>, %arg3: memref<20992x2x128xi32, #tpu.memory_space<hbm>>, %arg4: memref<2686976xf32, #tpu.memory_space<hbm>>, %arg5: memref<16x8x16384xf32, #tpu.memory_space<hbm>>, %arg6: memref<16384xf32, #tpu.memory_space<vmem>>, %arg7: memref<16384xf32, #tpu.memory_space<vmem>>, %arg8: memref<16384xf32, #tpu.memory_space<vmem>>, %arg9: memref<16384xf32, #tpu.memory_space<vmem>>, %arg10: memref<16384xf32, #tpu.memory_space<vmem>>, %arg11: memref<16384xf32, #tpu.memory_space<vmem>>, %arg12: memref<16x2x128xi32, #tpu.memory_space<vmem>>, %arg13: memref<16x2x128xi32, #tpu.memory_space<vmem>>, %arg14: memref<2048xf32, #tpu.memory_space<vmem>>, %arg15: memref<2048xf32, #tpu.memory_space<vmem>>, %arg16: memref<!tpu.dma_semaphore, #tpu.memory_space<semaphore_mem>>, %arg17: memref<!tpu.dma_semaphore, #tpu.memory_space<semaphore_mem>>, %arg18: memref<!tpu.dma_semaphore, #tpu.memory_space<semaphore_mem>>, %arg19: memref<!tpu.dma_semaphore, #tpu.memory_space<semaphore_mem>>) attributes {dimension_semantics = [#tpu.dimension_semantics<core_parallel>, #tpu.dimension_semantics<subcore_parallel>], iteration_bounds = array<i64: 2, 16>, scalar_prefetch = 0 : i64, scratch_operands = 14 : i64, tpu.core_type = #tpu.core_type<sc_vector_subcore>, window_params = [{transform_indices = #map}, {transform_indices = #map1}, {transform_indices = #map2}, {transform_indices = #map1}]} {
    %mul3A = arith.constant 2 : i32
    %mul3A_0 = arith.muli %arg1, %mul3A : i32
    %add3A = arith.addi %mul3A_0, %arg0 : i32
    %jit3A = arith.constant 2 : i32
    %eq3A = arith.constant 0 : i32
    %eq3A_1 = arith.cmpi eq, %jit3A, %eq3A : i32
    %jit3A_2 = arith.constant 1 : i32
    %select_n3A = arith.select %eq3A_1, %jit3A_2, %jit3A : i32
    %rem3A = arith.remsi %add3A, %select_n3A : i32
    %ne3A = arith.constant 0 : i32
    %ne3A_3 = arith.cmpi ne, %rem3A, %ne3A : i32
    %lt3A = arith.constant 0 : i32
    %lt3A_4 = arith.cmpi slt, %rem3A, %lt3A : i32
    %lt3A_5 = arith.constant 0 : i32
    %lt3A_6 = arith.cmpi slt, %select_n3A, %lt3A_5 : i32
    %ne3A_7 = arith.xori %lt3A_4, %lt3A_6 : i1
    %and3A = arith.andi %ne3A_7, %ne3A_3 : i1
    %add3A_8 = arith.addi %rem3A, %select_n3A : i32
    %select_n3A_9 = arith.select %and3A, %add3A_8, %rem3A : i32
    %jit3A_10 = arith.constant 2 : i32
    %div3A = arith.divsi %add3A, %jit3A_10 : i32
    %sign3A = arith.constant 0 : i32
    %sign3A_11 = arith.cmpi sgt, %add3A, %sign3A : i32
    %sign3A_12 = arith.extui %sign3A_11 : i1 to i32
    %sign3A_13 = arith.constant 0 : i32
    %sign3A_14 = arith.cmpi slt, %add3A, %sign3A_13 : i32
    %sign3A_15 = arith.extui %sign3A_14 : i1 to i32
    %sign3A_16 = arith.subi %sign3A_12, %sign3A_15 : i32
    %sign3A_17 = arith.constant 0 : i32
    %sign3A_18 = arith.cmpi sgt, %jit3A_10, %sign3A_17 : i32
    %sign3A_19 = arith.extui %sign3A_18 : i1 to i32
    %sign3A_20 = arith.constant 0 : i32
    %sign3A_21 = arith.cmpi slt, %jit3A_10, %sign3A_20 : i32
    %sign3A_22 = arith.extui %sign3A_21 : i1 to i32
    %sign3A_23 = arith.subi %sign3A_19, %sign3A_22 : i32
    %ne3A_24 = arith.cmpi ne, %sign3A_16, %sign3A_23 : i32
    %rem3A_25 = arith.remsi %add3A, %jit3A_10 : i32
    %ne3A_26 = arith.constant 0 : i32
    %ne3A_27 = arith.cmpi ne, %rem3A_25, %ne3A_26 : i32
    %and3A_28 = arith.andi %ne3A_24, %ne3A_27 : i1
    %sub3A = arith.constant 1 : i32
    %sub3A_29 = arith.subi %div3A, %sub3A : i32
    %select_n3A_30 = arith.select %and3A_28, %sub3A_29, %div3A : i32
    %mul3A_31 = arith.constant 167936 : i32
    %mul3A_32 = arith.muli %select_n3A_30, %mul3A_31 : i32
    %mul3A_33 = arith.constant 1312 : i32
    %mul3A_34 = arith.muli %select_n3A_30, %mul3A_33 : i32
    %mul3A_35 = arith.constant 2 : i32
    %mul3A_36 = arith.muli %mul3A_35, %select_n3A_9 : i32
    "tpu.region"() ({
      %run_scoped3A = tpu.sem_alloc : memref<!tpu.dma_semaphore, #tpu.memory_space<semaphore_mem>>
      %dma_start3A_76 = arith.constant 0 : i32
      %dma_start3A_77 = tpu.memref_slice %arg2[%mul3A_36, %dma_start3A_76] : memref<4x16384xf32, #tpu.memory_space<hbm>> -> memref<1x16384xf32, #tpu.memory_space<hbm>>
      %dma_start3A_78 = tpu.memref_squeeze %dma_start3A_77 : memref<1x16384xf32, #tpu.memory_space<hbm>> -> memref<16384xf32, #tpu.memory_space<hbm>>
      %dma_start3A_79 = arith.constant 0 : i32
      %dma_start3A_80 = tpu.memref_slice %arg2[%mul3A_36, %dma_start3A_79] : memref<4x16384xf32, #tpu.memory_space<hbm>> -> memref<1x16384xf32, #tpu.memory_space<hbm>>
      %dma_start3A_81 = tpu.memref_squeeze %dma_start3A_80 : memref<1x16384xf32, #tpu.memory_space<hbm>> -> memref<16384xf32, #tpu.memory_space<hbm>>
      tpu.enqueue_dma source(%dma_start3A_81 : memref<16384xf32, #tpu.memory_space<hbm>>) target(%arg6 : memref<16384xf32, #tpu.memory_space<vmem>>) target_semaphore(%run_scoped3A : memref<!tpu.dma_semaphore, #tpu.memory_space<semaphore_mem>>)
      %dma_wait3A = arith.constant 0 : i32
      %dma_wait3A_82 = tpu.memref_slice %arg2[%mul3A_36, %dma_wait3A] : memref<4x16384xf32, #tpu.memory_space<hbm>> -> memref<1x16384xf32, #tpu.memory_space<hbm>>
      %dma_wait3A_83 = tpu.memref_squeeze %dma_wait3A_82 : memref<1x16384xf32, #tpu.memory_space<hbm>> -> memref<16384xf32, #tpu.memory_space<hbm>>
      %dma_wait3A_84 = arith.constant 0 : i32
      %dma_wait3A_85 = tpu.memref_slice %arg2[%mul3A_36, %dma_wait3A_84] : memref<4x16384xf32, #tpu.memory_space<hbm>> -> memref<1x16384xf32, #tpu.memory_space<hbm>>
      %dma_wait3A_86 = tpu.memref_squeeze %dma_wait3A_85 : memref<1x16384xf32, #tpu.memory_space<hbm>> -> memref<16384xf32, #tpu.memory_space<hbm>>
      tpu.wait_dma2 semaphore(%run_scoped3A : memref<!tpu.dma_semaphore, #tpu.memory_space<semaphore_mem>>) src(%dma_wait3A_86 : memref<16384xf32, #tpu.memory_space<hbm>>) dst(%arg6 : memref<16384xf32, #tpu.memory_space<vmem>>)
      tpu.yield
    }) : () -> ()
    %mul3A_37 = arith.constant 2 : i32
    %mul3A_38 = arith.muli %mul3A_37, %select_n3A_9 : i32
    %add3A_39 = arith.constant 1 : i32
    %add3A_40 = arith.addi %mul3A_38, %add3A_39 : i32
    "tpu.region"() ({
      %run_scoped3A = tpu.sem_alloc : memref<!tpu.dma_semaphore, #tpu.memory_space<semaphore_mem>>
      %dma_start3A_76 = arith.constant 0 : i32
      %dma_start3A_77 = tpu.memref_slice %arg2[%add3A_40, %dma_start3A_76] : memref<4x16384xf32, #tpu.memory_space<hbm>> -> memref<1x16384xf32, #tpu.memory_space<hbm>>
      %dma_start3A_78 = tpu.memref_squeeze %dma_start3A_77 : memref<1x16384xf32, #tpu.memory_space<hbm>> -> memref<16384xf32, #tpu.memory_space<hbm>>
      %dma_start3A_79 = arith.constant 0 : i32
      %dma_start3A_80 = tpu.memref_slice %arg2[%add3A_40, %dma_start3A_79] : memref<4x16384xf32, #tpu.memory_space<hbm>> -> memref<1x16384xf32, #tpu.memory_space<hbm>>
      %dma_start3A_81 = tpu.memref_squeeze %dma_start3A_80 : memref<1x16384xf32, #tpu.memory_space<hbm>> -> memref<16384xf32, #tpu.memory_space<hbm>>
      tpu.enqueue_dma source(%dma_start3A_81 : memref<16384xf32, #tpu.memory_space<hbm>>) target(%arg7 : memref<16384xf32, #tpu.memory_space<vmem>>) target_semaphore(%run_scoped3A : memref<!tpu.dma_semaphore, #tpu.memory_space<semaphore_mem>>)
      %dma_wait3A = arith.constant 0 : i32
      %dma_wait3A_82 = tpu.memref_slice %arg2[%add3A_40, %dma_wait3A] : memref<4x16384xf32, #tpu.memory_space<hbm>> -> memref<1x16384xf32, #tpu.memory_space<hbm>>
      %dma_wait3A_83 = tpu.memref_squeeze %dma_wait3A_82 : memref<1x16384xf32, #tpu.memory_space<hbm>> -> memref<16384xf32, #tpu.memory_space<hbm>>
      %dma_wait3A_84 = arith.constant 0 : i32
      %dma_wait3A_85 = tpu.memref_slice %arg2[%add3A_40, %dma_wait3A_84] : memref<4x16384xf32, #tpu.memory_space<hbm>> -> memref<1x16384xf32, #tpu.memory_space<hbm>>
      %dma_wait3A_86 = tpu.memref_squeeze %dma_wait3A_85 : memref<1x16384xf32, #tpu.memory_space<hbm>> -> memref<16384xf32, #tpu.memory_space<hbm>>
      tpu.wait_dma2 semaphore(%run_scoped3A : memref<!tpu.dma_semaphore, #tpu.memory_space<semaphore_mem>>) src(%dma_wait3A_86 : memref<16384xf32, #tpu.memory_space<hbm>>) dst(%arg7 : memref<16384xf32, #tpu.memory_space<vmem>>)
      tpu.yield
    }) : () -> ()
    %broadcast_in_dim3A = arith.constant 0.000000e+00 : f32
    %broadcast_in_dim3A_41 = vector.broadcast %broadcast_in_dim3A : f32 to vector<16xf32>
    %scan3A = arith.constant 0 : i32
    %scan3A_42 = arith.constant 1024 : i32
    %scan3A_43 = arith.addi %scan3A, %scan3A_42 : i32
    %scan3A_44 = arith.constant 8 : i32
    scf.for %scan3A_76 = %scan3A to %scan3A_43 step %scan3A_44  : i32 {
      %mul3A_77 = arith.constant 1 : i32
      %mul3A_78 = arith.muli %scan3A_76, %mul3A_77 : i32
      %add3A_79 = arith.constant 0 : i32
      %add3A_80 = arith.addi %add3A_79, %mul3A_78 : i32
      %mul3A_81 = arith.constant 16 : i32
      %mul3A_82 = arith.muli %add3A_80, %mul3A_81 : i32
      %swap3A = arith.index_cast %mul3A_82 : i32 to index
      %swap3A_83 = tpu.vector_load %arg8[%swap3A] {strides = array<i32>} : memref<16384xf32, #tpu.memory_space<vmem>>, vector<16xf32>,
      tpu.vector_store %arg8[%swap3A], %broadcast_in_dim3A_41 {strides = array<i32>} : memref<16384xf32, #tpu.memory_space<vmem>>, vector<16xf32>,
      %mul3A_84 = arith.constant 16 : i32
      %mul3A_85 = arith.muli %add3A_80, %mul3A_84 : i32
      %swap3A_86 = arith.index_cast %mul3A_85 : i32 to index
      %swap3A_87 = tpu.vector_load %arg9[%swap3A_86] {strides = array<i32>} : memref<16384xf32, #tpu.memory_space<vmem>>, vector<16xf32>,
      tpu.vector_store %arg9[%swap3A_86], %broadcast_in_dim3A_41 {strides = array<i32>} : memref<16384xf32, #tpu.memory_space<vmem>>, vector<16xf32>,
      %mul3A_88 = arith.constant 16 : i32
      %mul3A_89 = arith.muli %add3A_80, %mul3A_88 : i32
      %swap3A_90 = arith.index_cast %mul3A_89 : i32 to index
      %swap3A_91 = tpu.vector_load %arg10[%swap3A_90] {strides = array<i32>} : memref<16384xf32, #tpu.memory_space<vmem>>, vector<16xf32>,
      tpu.vector_store %arg10[%swap3A_90], %broadcast_in_dim3A_41 {strides = array<i32>} : memref<16384xf32, #tpu.memory_space<vmem>>, vector<16xf32>,
      %mul3A_92 = arith.constant 16 : i32
      %mul3A_93 = arith.muli %add3A_80, %mul3A_92 : i32
      %swap3A_94 = arith.index_cast %mul3A_93 : i32 to index
      %swap3A_95 = tpu.vector_load %arg11[%swap3A_94] {strides = array<i32>} : memref<16384xf32, #tpu.memory_space<vmem>>, vector<16xf32>,
      tpu.vector_store %arg11[%swap3A_94], %broadcast_in_dim3A_41 {strides = array<i32>} : memref<16384xf32, #tpu.memory_space<vmem>>, vector<16xf32>,
      %scan3A_96 = arith.constant 1 : i32
      %scan3A_97 = arith.addi %scan3A_76, %scan3A_96 : i32
      %mul3A_98 = arith.constant 1 : i32
      %mul3A_99 = arith.muli %scan3A_97, %mul3A_98 : i32
      %add3A_100 = arith.constant 0 : i32
      %add3A_101 = arith.addi %add3A_100, %mul3A_99 : i32
      %mul3A_102 = arith.constant 16 : i32
      %mul3A_103 = arith.muli %add3A_101, %mul3A_102 : i32
      %swap3A_104 = arith.index_cast %mul3A_103 : i32 to index
      %swap3A_105 = tpu.vector_load %arg8[%swap3A_104] {strides = array<i32>} : memref<16384xf32, #tpu.memory_space<vmem>>, vector<16xf32>,
      tpu.vector_store %arg8[%swap3A_104], %broadcast_in_dim3A_41 {strides = array<i32>} : memref<16384xf32, #tpu.memory_space<vmem>>, vector<16xf32>,
      %mul3A_106 = arith.constant 16 : i32
      %mul3A_107 = arith.muli %add3A_101, %mul3A_106 : i32
      %swap3A_108 = arith.index_cast %mul3A_107 : i32 to index
      %swap3A_109 = tpu.vector_load %arg9[%swap3A_108] {strides = array<i32>} : memref<16384xf32, #tpu.memory_space<vmem>>, vector<16xf32>,
      tpu.vector_store %arg9[%swap3A_108], %broadcast_in_dim3A_41 {strides = array<i32>} : memref<16384xf32, #tpu.memory_space<vmem>>, vector<16xf32>,
      %mul3A_110 = arith.constant 16 : i32
      %mul3A_111 = arith.muli %add3A_101, %mul3A_110 : i32
      %swap3A_112 = arith.index_cast %mul3A_111 : i32 to index
      %swap3A_113 = tpu.vector_load %arg10[%swap3A_112] {strides = array<i32>} : memref<16384xf32, #tpu.memory_space<vmem>>, vector<16xf32>,
      tpu.vector_store %arg10[%swap3A_112], %broadcast_in_dim3A_41 {strides = array<i32>} : memref<16384xf32, #tpu.memory_space<vmem>>, vector<16xf32>,
      %mul3A_114 = arith.constant 16 : i32
      %mul3A_115 = arith.muli %add3A_101, %mul3A_114 : i32
      %swap3A_116 = arith.index_cast %mul3A_115 : i32 to index
      %swap3A_117 = tpu.vector_load %arg11[%swap3A_116] {strides = array<i32>} : memref<16384xf32, #tpu.memory_space<vmem>>, vector<16xf32>,
      tpu.vector_store %arg11[%swap3A_116], %broadcast_in_dim3A_41 {strides = array<i32>} : memref<16384xf32, #tpu.memory_space<vmem>>, vector<16xf32>,
      %scan3A_118 = arith.constant 2 : i32
      %scan3A_119 = arith.addi %scan3A_76, %scan3A_118 : i32
      %mul3A_120 = arith.constant 1 : i32
      %mul3A_121 = arith.muli %scan3A_119, %mul3A_120 : i32
      %add3A_122 = arith.constant 0 : i32
      %add3A_123 = arith.addi %add3A_122, %mul3A_121 : i32
      %mul3A_124 = arith.constant 16 : i32
      %mul3A_125 = arith.muli %add3A_123, %mul3A_124 : i32
      %swap3A_126 = arith.index_cast %mul3A_125 : i32 to index
      %swap3A_127 = tpu.vector_load %arg8[%swap3A_126] {strides = array<i32>} : memref<16384xf32, #tpu.memory_space<vmem>>, vector<16xf32>,
      tpu.vector_store %arg8[%swap3A_126], %broadcast_in_dim3A_41 {strides = array<i32>} : memref<16384xf32, #tpu.memory_space<vmem>>, vector<16xf32>,
      %mul3A_128 = arith.constant 16 : i32
      %mul3A_129 = arith.muli %add3A_123, %mul3A_128 : i32
      %swap3A_130 = arith.index_cast %mul3A_129 : i32 to index
      %swap3A_131 = tpu.vector_load %arg9[%swap3A_130] {strides = array<i32>} : memref<16384xf32, #tpu.memory_space<vmem>>, vector<16xf32>,
      tpu.vector_store %arg9[%swap3A_130], %broadcast_in_dim3A_41 {strides = array<i32>} : memref<16384xf32, #tpu.memory_space<vmem>>, vector<16xf32>,
      %mul3A_132 = arith.constant 16 : i32
      %mul3A_133 = arith.muli %add3A_123, %mul3A_132 : i32
      %swap3A_134 = arith.index_cast %mul3A_133 : i32 to index
      %swap3A_135 = tpu.vector_load %arg10[%swap3A_134] {strides = array<i32>} : memref<16384xf32, #tpu.memory_space<vmem>>, vector<16xf32>,
      tpu.vector_store %arg10[%swap3A_134], %broadcast_in_dim3A_41 {strides = array<i32>} : memref<16384xf32, #tpu.memory_space<vmem>>, vector<16xf32>,
      %mul3A_136 = arith.constant 16 : i32
      %mul3A_137 = arith.muli %add3A_123, %mul3A_136 : i32
      %swap3A_138 = arith.index_cast %mul3A_137 : i32 to index
      %swap3A_139 = tpu.vector_load %arg11[%swap3A_138] {strides = array<i32>} : memref<16384xf32, #tpu.memory_space<vmem>>, vector<16xf32>,
      tpu.vector_store %arg11[%swap3A_138], %broadcast_in_dim3A_41 {strides = array<i32>} : memref<16384xf32, #tpu.memory_space<vmem>>, vector<16xf32>,
      %scan3A_140 = arith.constant 3 : i32
      %scan3A_141 = arith.addi %scan3A_76, %scan3A_140 : i32
      %mul3A_142 = arith.constant 1 : i32
      %mul3A_143 = arith.muli %scan3A_141, %mul3A_142 : i32
      %add3A_144 = arith.constant 0 : i32
      %add3A_145 = arith.addi %add3A_144, %mul3A_143 : i32
      %mul3A_146 = arith.constant 16 : i32
      %mul3A_147 = arith.muli %add3A_145, %mul3A_146 : i32
      %swap3A_148 = arith.index_cast %mul3A_147 : i32 to index
      %swap3A_149 = tpu.vector_load %arg8[%swap3A_148] {strides = array<i32>} : memref<16384xf32, #tpu.memory_space<vmem>>, vector<16xf32>,
      tpu.vector_store %arg8[%swap3A_148], %broadcast_in_dim3A_41 {strides = array<i32>} : memref<16384xf32, #tpu.memory_space<vmem>>, vector<16xf32>,
      %mul3A_150 = arith.constant 16 : i32
      %mul3A_151 = arith.muli %add3A_145, %mul3A_150 : i32
      %swap3A_152 = arith.index_cast %mul3A_151 : i32 to index
      %swap3A_153 = tpu.vector_load %arg9[%swap3A_152] {strides = array<i32>} : memref<16384xf32, #tpu.memory_space<vmem>>, vector<16xf32>,
      tpu.vector_store %arg9[%swap3A_152], %broadcast_in_dim3A_41 {strides = array<i32>} : memref<16384xf32, #tpu.memory_space<vmem>>, vector<16xf32>,
      %mul3A_154 = arith.constant 16 : i32
      %mul3A_155 = arith.muli %add3A_145, %mul3A_154 : i32
      %swap3A_156 = arith.index_cast %mul3A_155 : i32 to index
      %swap3A_157 = tpu.vector_load %arg10[%swap3A_156] {strides = array<i32>} : memref<16384xf32, #tpu.memory_space<vmem>>, vector<16xf32>,
      tpu.vector_store %arg10[%swap3A_156], %broadcast_in_dim3A_41 {strides = array<i32>} : memref<16384xf32, #tpu.memory_space<vmem>>, vector<16xf32>,
      %mul3A_158 = arith.constant 16 : i32
      %mul3A_159 = arith.muli %add3A_145, %mul3A_158 : i32
      %swap3A_160 = arith.index_cast %mul3A_159 : i32 to index
      %swap3A_161 = tpu.vector_load %arg11[%swap3A_160] {strides = array<i32>} : memref<16384xf32, #tpu.memory_space<vmem>>, vector<16xf32>,
      tpu.vector_store %arg11[%swap3A_160], %broadcast_in_dim3A_41 {strides = array<i32>} : memref<16384xf32, #tpu.memory_space<vmem>>, vector<16xf32>,
      %scan3A_162 = arith.constant 4 : i32
      %scan3A_163 = arith.addi %scan3A_76, %scan3A_162 : i32
      %mul3A_164 = arith.constant 1 : i32
      %mul3A_165 = arith.muli %scan3A_163, %mul3A_164 : i32
      %add3A_166 = arith.constant 0 : i32
      %add3A_167 = arith.addi %add3A_166, %mul3A_165 : i32
      %mul3A_168 = arith.constant 16 : i32
      %mul3A_169 = arith.muli %add3A_167, %mul3A_168 : i32
      %swap3A_170 = arith.index_cast %mul3A_169 : i32 to index
      %swap3A_171 = tpu.vector_load %arg8[%swap3A_170] {strides = array<i32>} : memref<16384xf32, #tpu.memory_space<vmem>>, vector<16xf32>,
      tpu.vector_store %arg8[%swap3A_170], %broadcast_in_dim3A_41 {strides = array<i32>} : memref<16384xf32, #tpu.memory_space<vmem>>, vector<16xf32>,
      %mul3A_172 = arith.constant 16 : i32
      %mul3A_173 = arith.muli %add3A_167, %mul3A_172 : i32
      %swap3A_174 = arith.index_cast %mul3A_173 : i32 to index
      %swap3A_175 = tpu.vector_load %arg9[%swap3A_174] {strides = array<i32>} : memref<16384xf32, #tpu.memory_space<vmem>>, vector<16xf32>,
      tpu.vector_store %arg9[%swap3A_174], %broadcast_in_dim3A_41 {strides = array<i32>} : memref<16384xf32, #tpu.memory_space<vmem>>, vector<16xf32>,
      %mul3A_176 = arith.constant 16 : i32
      %mul3A_177 = arith.muli %add3A_167, %mul3A_176 : i32
      %swap3A_178 = arith.index_cast %mul3A_177 : i32 to index
      %swap3A_179 = tpu.vector_load %arg10[%swap3A_178] {strides = array<i32>} : memref<16384xf32, #tpu.memory_space<vmem>>, vector<16xf32>,
      tpu.vector_store %arg10[%swap3A_178], %broadcast_in_dim3A_41 {strides = array<i32>} : memref<16384xf32, #tpu.memory_space<vmem>>, vector<16xf32>,
      %mul3A_180 = arith.constant 16 : i32
      %mul3A_181 = arith.muli %add3A_167, %mul3A_180 : i32
      %swap3A_182 = arith.index_cast %mul3A_181 : i32 to index
      %swap3A_183 = tpu.vector_load %arg11[%swap3A_182] {strides = array<i32>} : memref<16384xf32, #tpu.memory_space<vmem>>, vector<16xf32>,
      tpu.vector_store %arg11[%swap3A_182], %broadcast_in_dim3A_41 {strides = array<i32>} : memref<16384xf32, #tpu.memory_space<vmem>>, vector<16xf32>,
      %scan3A_184 = arith.constant 5 : i32
      %scan3A_185 = arith.addi %scan3A_76, %scan3A_184 : i32
      %mul3A_186 = arith.constant 1 : i32
      %mul3A_187 = arith.muli %scan3A_185, %mul3A_186 : i32
      %add3A_188 = arith.constant 0 : i32
      %add3A_189 = arith.addi %add3A_188, %mul3A_187 : i32
      %mul3A_190 = arith.constant 16 : i32
      %mul3A_191 = arith.muli %add3A_189, %mul3A_190 : i32
      %swap3A_192 = arith.index_cast %mul3A_191 : i32 to index
      %swap3A_193 = tpu.vector_load %arg8[%swap3A_192] {strides = array<i32>} : memref<16384xf32, #tpu.memory_space<vmem>>, vector<16xf32>,
      tpu.vector_store %arg8[%swap3A_192], %broadcast_in_dim3A_41 {strides = array<i32>} : memref<16384xf32, #tpu.memory_space<vmem>>, vector<16xf32>,
      %mul3A_194 = arith.constant 16 : i32
      %mul3A_195 = arith.muli %add3A_189, %mul3A_194 : i32
      %swap3A_196 = arith.index_cast %mul3A_195 : i32 to index
      %swap3A_197 = tpu.vector_load %arg9[%swap3A_196] {strides = array<i32>} : memref<16384xf32, #tpu.memory_space<vmem>>, vector<16xf32>,
      tpu.vector_store %arg9[%swap3A_196], %broadcast_in_dim3A_41 {strides = array<i32>} : memref<16384xf32, #tpu.memory_space<vmem>>, vector<16xf32>,
      %mul3A_198 = arith.constant 16 : i32
      %mul3A_199 = arith.muli %add3A_189, %mul3A_198 : i32
      %swap3A_200 = arith.index_cast %mul3A_199 : i32 to index
      %swap3A_201 = tpu.vector_load %arg10[%swap3A_200] {strides = array<i32>} : memref<16384xf32, #tpu.memory_space<vmem>>, vector<16xf32>,
      tpu.vector_store %arg10[%swap3A_200], %broadcast_in_dim3A_41 {strides = array<i32>} : memref<16384xf32, #tpu.memory_space<vmem>>, vector<16xf32>,
      %mul3A_202 = arith.constant 16 : i32
      %mul3A_203 = arith.muli %add3A_189, %mul3A_202 : i32
      %swap3A_204 = arith.index_cast %mul3A_203 : i32 to index
      %swap3A_205 = tpu.vector_load %arg11[%swap3A_204] {strides = array<i32>} : memref<16384xf32, #tpu.memory_space<vmem>>, vector<16xf32>,
      tpu.vector_store %arg11[%swap3A_204], %broadcast_in_dim3A_41 {strides = array<i32>} : memref<16384xf32, #tpu.memory_space<vmem>>, vector<16xf32>,
      %scan3A_206 = arith.constant 6 : i32
      %scan3A_207 = arith.addi %scan3A_76, %scan3A_206 : i32
      %mul3A_208 = arith.constant 1 : i32
      %mul3A_209 = arith.muli %scan3A_207, %mul3A_208 : i32
      %add3A_210 = arith.constant 0 : i32
      %add3A_211 = arith.addi %add3A_210, %mul3A_209 : i32
      %mul3A_212 = arith.constant 16 : i32
      %mul3A_213 = arith.muli %add3A_211, %mul3A_212 : i32
      %swap3A_214 = arith.index_cast %mul3A_213 : i32 to index
      %swap3A_215 = tpu.vector_load %arg8[%swap3A_214] {strides = array<i32>} : memref<16384xf32, #tpu.memory_space<vmem>>, vector<16xf32>,
      tpu.vector_store %arg8[%swap3A_214], %broadcast_in_dim3A_41 {strides = array<i32>} : memref<16384xf32, #tpu.memory_space<vmem>>, vector<16xf32>,
      %mul3A_216 = arith.constant 16 : i32
      %mul3A_217 = arith.muli %add3A_211, %mul3A_216 : i32
      %swap3A_218 = arith.index_cast %mul3A_217 : i32 to index
      %swap3A_219 = tpu.vector_load %arg9[%swap3A_218] {strides = array<i32>} : memref<16384xf32, #tpu.memory_space<vmem>>, vector<16xf32>,
      tpu.vector_store %arg9[%swap3A_218], %broadcast_in_dim3A_41 {strides = array<i32>} : memref<16384xf32, #tpu.memory_space<vmem>>, vector<16xf32>,
      %mul3A_220 = arith.constant 16 : i32
      %mul3A_221 = arith.muli %add3A_211, %mul3A_220 : i32
      %swap3A_222 = arith.index_cast %mul3A_221 : i32 to index
      %swap3A_223 = tpu.vector_load %arg10[%swap3A_222] {strides = array<i32>} : memref<16384xf32, #tpu.memory_space<vmem>>, vector<16xf32>,
      tpu.vector_store %arg10[%swap3A_222], %broadcast_in_dim3A_41 {strides = array<i32>} : memref<16384xf32, #tpu.memory_space<vmem>>, vector<16xf32>,
      %mul3A_224 = arith.constant 16 : i32
      %mul3A_225 = arith.muli %add3A_211, %mul3A_224 : i32
      %swap3A_226 = arith.index_cast %mul3A_225 : i32 to index
      %swap3A_227 = tpu.vector_load %arg11[%swap3A_226] {strides = array<i32>} : memref<16384xf32, #tpu.memory_space<vmem>>, vector<16xf32>,
      tpu.vector_store %arg11[%swap3A_226], %broadcast_in_dim3A_41 {strides = array<i32>} : memref<16384xf32, #tpu.memory_space<vmem>>, vector<16xf32>,
      %scan3A_228 = arith.constant 7 : i32
      %scan3A_229 = arith.addi %scan3A_76, %scan3A_228 : i32
      %mul3A_230 = arith.constant 1 : i32
      %mul3A_231 = arith.muli %scan3A_229, %mul3A_230 : i32
      %add3A_232 = arith.constant 0 : i32
      %add3A_233 = arith.addi %add3A_232, %mul3A_231 : i32
      %mul3A_234 = arith.constant 16 : i32
      %mul3A_235 = arith.muli %add3A_233, %mul3A_234 : i32
      %swap3A_236 = arith.index_cast %mul3A_235 : i32 to index
      %swap3A_237 = tpu.vector_load %arg8[%swap3A_236] {strides = array<i32>} : memref<16384xf32, #tpu.memory_space<vmem>>, vector<16xf32>,
      tpu.vector_store %arg8[%swap3A_236], %broadcast_in_dim3A_41 {strides = array<i32>} : memref<16384xf32, #tpu.memory_space<vmem>>, vector<16xf32>,
      %mul3A_238 = arith.constant 16 : i32
      %mul3A_239 = arith.muli %add3A_233, %mul3A_238 : i32
      %swap3A_240 = arith.index_cast %mul3A_239 : i32 to index
      %swap3A_241 = tpu.vector_load %arg9[%swap3A_240] {strides = array<i32>} : memref<16384xf32, #tpu.memory_space<vmem>>, vector<16xf32>,
      tpu.vector_store %arg9[%swap3A_240], %broadcast_in_dim3A_41 {strides = array<i32>} : memref<16384xf32, #tpu.memory_space<vmem>>, vector<16xf32>,
      %mul3A_242 = arith.constant 16 : i32
      %mul3A_243 = arith.muli %add3A_233, %mul3A_242 : i32
      %swap3A_244 = arith.index_cast %mul3A_243 : i32 to index
      %swap3A_245 = tpu.vector_load %arg10[%swap3A_244] {strides = array<i32>} : memref<16384xf32, #tpu.memory_space<vmem>>, vector<16xf32>,
      tpu.vector_store %arg10[%swap3A_244], %broadcast_in_dim3A_41 {strides = array<i32>} : memref<16384xf32, #tpu.memory_space<vmem>>, vector<16xf32>,
      %mul3A_246 = arith.constant 16 : i32
      %mul3A_247 = arith.muli %add3A_233, %mul3A_246 : i32
      %swap3A_248 = arith.index_cast %mul3A_247 : i32 to index
      %swap3A_249 = tpu.vector_load %arg11[%swap3A_248] {strides = array<i32>} : memref<16384xf32, #tpu.memory_space<vmem>>, vector<16xf32>,
      tpu.vector_store %arg11[%swap3A_248], %broadcast_in_dim3A_41 {strides = array<i32>} : memref<16384xf32, #tpu.memory_space<vmem>>, vector<16xf32>,
    }
    %scan3A_45 = arith.constant 1024 : i32
    %add3A_46 = arith.constant 0 : i32
    %add3A_47 = arith.addi %mul3A_32, %add3A_46 : i32
    %add3A_48 = arith.constant 0 : i32
    %add3A_49 = arith.addi %mul3A_34, %add3A_48 : i32
    %dma_start3A = arith.constant 0 : i32
    %dma_start3A_50 = arith.constant 0 : i32
    %dma_start3A_51 = tpu.memref_slice %arg3[%add3A_49, %dma_start3A, %dma_start3A_50] : memref<20992x2x128xi32, #tpu.memory_space<hbm>> -> memref<16x2x128xi32, #tpu.memory_space<hbm>>
    %dma_start3A_52 = arith.constant 0 : i32
    %dma_start3A_53 = arith.constant 0 : i32
    %dma_start3A_54 = tpu.memref_slice %arg3[%add3A_49, %dma_start3A_52, %dma_start3A_53] : memref<20992x2x128xi32, #tpu.memory_space<hbm>> -> memref<16x2x128xi32, #tpu.memory_space<hbm>>
    tpu.enqueue_dma source(%dma_start3A_54 : memref<16x2x128xi32, #tpu.memory_space<hbm>>) target(%arg12 : memref<16x2x128xi32, #tpu.memory_space<vmem>>) target_semaphore(%arg16 : memref<!tpu.dma_semaphore, #tpu.memory_space<semaphore_mem>>)
    %dma_start3A_55 = tpu.memref_slice %arg4[%add3A_47] : memref<2686976xf32, #tpu.memory_space<hbm>> -> memref<2048xf32, #tpu.memory_space<hbm>>
    %dma_start3A_56 = tpu.memref_slice %arg4[%add3A_47] : memref<2686976xf32, #tpu.memory_space<hbm>> -> memref<2048xf32, #tpu.memory_space<hbm>>
    tpu.enqueue_dma source(%dma_start3A_56 : memref<2048xf32, #tpu.memory_space<hbm>>) target(%arg14 : memref<2048xf32, #tpu.memory_space<vmem>>) target_semaphore(%arg18 : memref<!tpu.dma_semaphore, #tpu.memory_space<semaphore_mem>>)
    %scan3A_57 = arith.constant 0 : i32
    %scan3A_58 = arith.constant 41 : i32
    %scan3A_59 = arith.addi %scan3A_57, %scan3A_58 : i32
    %scan3A_60 = arith.constant 1 : i32
    scf.for %scan3A_76 = %scan3A_57 to %scan3A_59 step %scan3A_60  : i32 {
      %mul3A_77 = arith.constant 2 : i32
      %mul3A_78 = arith.muli %scan3A_76, %mul3A_77 : i32
      %add3A_79 = arith.constant 0 : i32
      %add3A_80 = arith.addi %add3A_79, %mul3A_78 : i32
      %add3A_81 = arith.constant 1 : i32
      %add3A_82 = arith.addi %add3A_80, %add3A_81 : i32
      %mul3A_83 = arith.constant 2048 : i32
      %mul3A_84 = arith.muli %add3A_82, %mul3A_83 : i32
      %add3A_85 = arith.addi %mul3A_32, %mul3A_84 : i32
      %mul3A_86 = arith.constant 16 : i32
      %mul3A_87 = arith.muli %add3A_82, %mul3A_86 : i32
      %add3A_88 = arith.addi %mul3A_34, %mul3A_87 : i32
      %dma_start3A_89 = arith.constant 0 : i32
      %dma_start3A_90 = arith.constant 0 : i32
      %dma_start3A_91 = tpu.memref_slice %arg3[%add3A_88, %dma_start3A_89, %dma_start3A_90] : memref<20992x2x128xi32, #tpu.memory_space<hbm>> -> memref<16x2x128xi32, #tpu.memory_space<hbm>>
      %dma_start3A_92 = arith.constant 0 : i32
      %dma_start3A_93 = arith.constant 0 : i32
      %dma_start3A_94 = tpu.memref_slice %arg3[%add3A_88, %dma_start3A_92, %dma_start3A_93] : memref<20992x2x128xi32, #tpu.memory_space<hbm>> -> memref<16x2x128xi32, #tpu.memory_space<hbm>>
      tpu.enqueue_dma source(%dma_start3A_94 : memref<16x2x128xi32, #tpu.memory_space<hbm>>) target(%arg13 : memref<16x2x128xi32, #tpu.memory_space<vmem>>) target_semaphore(%arg17 : memref<!tpu.dma_semaphore, #tpu.memory_space<semaphore_mem>>)
      %dma_start3A_95 = tpu.memref_slice %arg4[%add3A_85] : memref<2686976xf32, #tpu.memory_space<hbm>> -> memref<2048xf32, #tpu.memory_space<hbm>>
      %dma_start3A_96 = tpu.memref_slice %arg4[%add3A_85] : memref<2686976xf32, #tpu.memory_space<hbm>> -> memref<2048xf32, #tpu.memory_space<hbm>>
      tpu.enqueue_dma source(%dma_start3A_96 : memref<2048xf32, #tpu.memory_space<hbm>>) target(%arg15 : memref<2048xf32, #tpu.memory_space<vmem>>) target_semaphore(%arg19 : memref<!tpu.dma_semaphore, #tpu.memory_space<semaphore_mem>>)
      %dma_wait3A = arith.constant 0 : i32
      %dma_wait3A_97 = arith.constant 0 : i32
      %dma_wait3A_98 = arith.constant 0 : i32
      %dma_wait3A_99 = tpu.memref_slice %arg3[%dma_wait3A, %dma_wait3A_97, %dma_wait3A_98] : memref<20992x2x128xi32, #tpu.memory_space<hbm>> -> memref<16x2x128xi32, #tpu.memory_space<hbm>>
      %dma_wait3A_100 = arith.constant 0 : i32
      %dma_wait3A_101 = arith.constant 0 : i32
      %dma_wait3A_102 = arith.constant 0 : i32
      %dma_wait3A_103 = tpu.memref_slice %arg3[%dma_wait3A_100, %dma_wait3A_101, %dma_wait3A_102] : memref<20992x2x128xi32, #tpu.memory_space<hbm>> -> memref<16x2x128xi32, #tpu.memory_space<hbm>>
      tpu.wait_dma2 semaphore(%arg16 : memref<!tpu.dma_semaphore, #tpu.memory_space<semaphore_mem>>) src(%dma_wait3A_103 : memref<16x2x128xi32, #tpu.memory_space<hbm>>) dst(%arg12 : memref<16x2x128xi32, #tpu.memory_space<vmem>>)
      %dma_wait3A_104 = arith.constant 0 : i32
      %dma_wait3A_105 = tpu.memref_slice %arg4[%dma_wait3A_104] : memref<2686976xf32, #tpu.memory_space<hbm>> -> memref<2048xf32, #tpu.memory_space<hbm>>
      %dma_wait3A_106 = arith.constant 0 : i32
      %dma_wait3A_107 = tpu.memref_slice %arg4[%dma_wait3A_106] : memref<2686976xf32, #tpu.memory_space<hbm>> -> memref<2048xf32, #tpu.memory_space<hbm>>
      tpu.wait_dma2 semaphore(%arg18 : memref<!tpu.dma_semaphore, #tpu.memory_space<semaphore_mem>>) src(%dma_wait3A_107 : memref<2048xf32, #tpu.memory_space<hbm>>) dst(%arg14 : memref<2048xf32, #tpu.memory_space<vmem>>)
      %scan3A_108 = arith.constant 0 : i32
      %scan3A_109 = arith.constant 16 : i32
      %scan3A_110 = arith.addi %scan3A_108, %scan3A_109 : i32
      %scan3A_111 = arith.constant 1 : i32
      scf.for %scan3A_135 = %scan3A_108 to %scan3A_110 step %scan3A_111  : i32 {
        %mul3A_136 = arith.constant 1 : i32
        %mul3A_137 = arith.muli %scan3A_135, %mul3A_136 : i32
        %add3A_138 = arith.constant 0 : i32
        %add3A_139 = arith.addi %add3A_138, %mul3A_137 : i32
        %parallel_loop3A = arith.constant 0 : i32
        %parallel_loop3A_140 = arith.constant 128 : i32
        %parallel_loop3A_141 = arith.constant 16 : i32
        scf.for %parallel_loop3A_142 = %parallel_loop3A to %parallel_loop3A_140 step %parallel_loop3A_141  : i32 {
          %parallel_loop3A_143 = arith.constant 0 : i32
          %parallel_loop3A_144 = arith.index_cast %add3A_139 : i32 to index
          %parallel_loop3A_145 = arith.index_cast %parallel_loop3A_143 : i32 to index
          %parallel_loop3A_146 = arith.index_cast %parallel_loop3A_142 : i32 to index
          %parallel_loop3A_147 = tpu.vector_load %arg12[%parallel_loop3A_144, %parallel_loop3A_145, %parallel_loop3A_146] {strides = array<i32>} : memref<16x2x128xi32, #tpu.memory_space<vmem>>, vector<16xi32>,
          %parallel_loop3A_148 = arith.constant 1 : i32
          %parallel_loop3A_149 = arith.index_cast %add3A_139 : i32 to index
          %parallel_loop3A_150 = arith.index_cast %parallel_loop3A_148 : i32 to index
          %parallel_loop3A_151 = arith.index_cast %parallel_loop3A_142 : i32 to index
          %parallel_loop3A_152 = tpu.vector_load %arg12[%parallel_loop3A_149, %parallel_loop3A_150, %parallel_loop3A_151] {strides = array<i32>} : memref<16x2x128xi32, #tpu.memory_space<vmem>>, vector<16xi32>,
          %parallel_loop3A_153 = arith.constant 128 : i32
          %parallel_loop3A_154 = arith.muli %add3A_139, %parallel_loop3A_153 : i32
          %parallel_loop3A_155 = arith.addi %parallel_loop3A_154, %parallel_loop3A_142 : i32
          %parallel_loop3A_156 = arith.index_cast %parallel_loop3A_155 : i32 to index
          %parallel_loop3A_157 = tpu.vector_load %arg14[%parallel_loop3A_156] {strides = array<i32>} : memref<2048xf32, #tpu.memory_space<vmem>>, vector<16xf32>,
          %parallel_loop3A_158 = tpu.vector_load_idx %arg6[%parallel_loop3A_147] : memref<16384xf32, #tpu.memory_space<vmem>>[vector<16xi32>], vector<16xf32>,
          %parallel_loop3A_159 = vector.bitcast %parallel_loop3A_158 : vector<16xf32> to vector<16xi32>
          %parallel_loop3A_160 = arith.constant -65536 : i32
          %parallel_loop3A_161 = vector.broadcast %parallel_loop3A_160 : i32 to vector<16xi32>
          %parallel_loop3A_162 = arith.andi %parallel_loop3A_159, %parallel_loop3A_161 : vector<16xi32>
          %parallel_loop3A_163 = vector.bitcast %parallel_loop3A_162 : vector<16xi32> to vector<16xf32>
          %parallel_loop3A_164 = arith.constant 16 : i32
          %parallel_loop3A_165 = vector.broadcast %parallel_loop3A_164 : i32 to vector<16xi32>
          %parallel_loop3A_166 = arith.shli %parallel_loop3A_159, %parallel_loop3A_165 : vector<16xi32>
          %parallel_loop3A_167 = vector.bitcast %parallel_loop3A_166 : vector<16xi32> to vector<16xf32>
          %parallel_loop3A_168 = arith.mulf %parallel_loop3A_157, %parallel_loop3A_163 : vector<16xf32>
          tpu.vector_store_idx %arg8[%parallel_loop3A_152], %parallel_loop3A_168 {add = true} : memref<16384xf32, #tpu.memory_space<vmem>>[vector<16xi32>], vector<16xf32>,
          %parallel_loop3A_169 = arith.mulf %parallel_loop3A_157, %parallel_loop3A_167 : vector<16xf32>
          tpu.vector_store_idx %arg9[%parallel_loop3A_152], %parallel_loop3A_169 {add = true} : memref<16384xf32, #tpu.memory_space<vmem>>[vector<16xi32>], vector<16xf32>,
          %parallel_loop3A_170 = tpu.vector_load_idx %arg7[%parallel_loop3A_147] : memref<16384xf32, #tpu.memory_space<vmem>>[vector<16xi32>], vector<16xf32>,
          %parallel_loop3A_171 = vector.bitcast %parallel_loop3A_170 : vector<16xf32> to vector<16xi32>
          %parallel_loop3A_172 = arith.constant -65536 : i32
          %parallel_loop3A_173 = vector.broadcast %parallel_loop3A_172 : i32 to vector<16xi32>
          %parallel_loop3A_174 = arith.andi %parallel_loop3A_171, %parallel_loop3A_173 : vector<16xi32>
          %parallel_loop3A_175 = vector.bitcast %parallel_loop3A_174 : vector<16xi32> to vector<16xf32>
          %parallel_loop3A_176 = arith.constant 16 : i32
          %parallel_loop3A_177 = vector.broadcast %parallel_loop3A_176 : i32 to vector<16xi32>
          %parallel_loop3A_178 = arith.shli %parallel_loop3A_171, %parallel_loop3A_177 : vector<16xi32>
          %parallel_loop3A_179 = vector.bitcast %parallel_loop3A_178 : vector<16xi32> to vector<16xf32>
          %parallel_loop3A_180 = arith.mulf %parallel_loop3A_157, %parallel_loop3A_175 : vector<16xf32>
          tpu.vector_store_idx %arg10[%parallel_loop3A_152], %parallel_loop3A_180 {add = true} : memref<16384xf32, #tpu.memory_space<vmem>>[vector<16xi32>], vector<16xf32>,
          %parallel_loop3A_181 = arith.mulf %parallel_loop3A_157, %parallel_loop3A_179 : vector<16xf32>
          tpu.vector_store_idx %arg11[%parallel_loop3A_152], %parallel_loop3A_181 {add = true} : memref<16384xf32, #tpu.memory_space<vmem>>[vector<16xi32>], vector<16xf32>,
        } {sc.loop_unroll_factor = 8 : i64, sc.parallel_access}
      }
      %scan3A_112 = arith.constant 16 : i32
      %add3A_113 = arith.constant 2 : i32
      %add3A_114 = arith.addi %add3A_80, %add3A_113 : i32
      %lt3A_115 = arith.constant 82 : i32
      %lt3A_116 = arith.cmpi slt, %add3A_114, %lt3A_115 : i32
      %convert_element_type3A = arith.extui %lt3A_116 : i1 to i32
      %cond3A = arith.constant 0 : i32
      %cond3A_117 = arith.cmpi ne, %convert_element_type3A, %cond3A : i32
      scf.if %cond3A_117 {
        %add3A_135 = arith.constant 2 : i32
        %add3A_136 = arith.addi %add3A_80, %add3A_135 : i32
        %mul3A_137 = arith.constant 2048 : i32
        %mul3A_138 = arith.muli %add3A_136, %mul3A_137 : i32
        %add3A_139 = arith.addi %mul3A_32, %mul3A_138 : i32
        %mul3A_140 = arith.constant 16 : i32
        %mul3A_141 = arith.muli %add3A_136, %mul3A_140 : i32
        %add3A_142 = arith.addi %mul3A_34, %mul3A_141 : i32
        %dma_start3A_143 = arith.constant 0 : i32
        %dma_start3A_144 = arith.constant 0 : i32
        %dma_start3A_145 = tpu.memref_slice %arg3[%add3A_142, %dma_start3A_143, %dma_start3A_144] : memref<20992x2x128xi32, #tpu.memory_space<hbm>> -> memref<16x2x128xi32, #tpu.memory_space<hbm>>
        %dma_start3A_146 = arith.constant 0 : i32
        %dma_start3A_147 = arith.constant 0 : i32
        %dma_start3A_148 = tpu.memref_slice %arg3[%add3A_142, %dma_start3A_146, %dma_start3A_147] : memref<20992x2x128xi32, #tpu.memory_space<hbm>> -> memref<16x2x128xi32, #tpu.memory_space<hbm>>
        tpu.enqueue_dma source(%dma_start3A_148 : memref<16x2x128xi32, #tpu.memory_space<hbm>>) target(%arg12 : memref<16x2x128xi32, #tpu.memory_space<vmem>>) target_semaphore(%arg16 : memref<!tpu.dma_semaphore, #tpu.memory_space<semaphore_mem>>)
        %dma_start3A_149 = tpu.memref_slice %arg4[%add3A_139] : memref<2686976xf32, #tpu.memory_space<hbm>> -> memref<2048xf32, #tpu.memory_space<hbm>>
        %dma_start3A_150 = tpu.memref_slice %arg4[%add3A_139] : memref<2686976xf32, #tpu.memory_space<hbm>> -> memref<2048xf32, #tpu.memory_space<hbm>>
        tpu.enqueue_dma source(%dma_start3A_150 : memref<2048xf32, #tpu.memory_space<hbm>>) target(%arg14 : memref<2048xf32, #tpu.memory_space<vmem>>) target_semaphore(%arg18 : memref<!tpu.dma_semaphore, #tpu.memory_space<semaphore_mem>>)
      } else {
      }
      %dma_wait3A_118 = arith.constant 0 : i32
      %dma_wait3A_119 = arith.constant 0 : i32
      %dma_wait3A_120 = arith.constant 0 : i32
      %dma_wait3A_121 = tpu.memref_slice %arg3[%dma_wait3A_118, %dma_wait3A_119, %dma_wait3A_120] : memref<20992x2x128xi32, #tpu.memory_space<hbm>> -> memref<16x2x128xi32, #tpu.memory_space<hbm>>
      %dma_wait3A_122 = arith.constant 0 : i32
      %dma_wait3A_123 = arith.constant 0 : i32
      %dma_wait3A_124 = arith.constant 0 : i32
      %dma_wait3A_125 = tpu.memref_slice %arg3[%dma_wait3A_122, %dma_wait3A_123, %dma_wait3A_124] : memref<20992x2x128xi32, #tpu.memory_space<hbm>> -> memref<16x2x128xi32, #tpu.memory_space<hbm>>
      tpu.wait_dma2 semaphore(%arg17 : memref<!tpu.dma_semaphore, #tpu.memory_space<semaphore_mem>>) src(%dma_wait3A_125 : memref<16x2x128xi32, #tpu.memory_space<hbm>>) dst(%arg13 : memref<16x2x128xi32, #tpu.memory_space<vmem>>)
      %dma_wait3A_126 = arith.constant 0 : i32
      %dma_wait3A_127 = tpu.memref_slice %arg4[%dma_wait3A_126] : memref<2686976xf32, #tpu.memory_space<hbm>> -> memref<2048xf32, #tpu.memory_space<hbm>>
      %dma_wait3A_128 = arith.constant 0 : i32
      %dma_wait3A_129 = tpu.memref_slice %arg4[%dma_wait3A_128] : memref<2686976xf32, #tpu.memory_space<hbm>> -> memref<2048xf32, #tpu.memory_space<hbm>>
      tpu.wait_dma2 semaphore(%arg19 : memref<!tpu.dma_semaphore, #tpu.memory_space<semaphore_mem>>) src(%dma_wait3A_129 : memref<2048xf32, #tpu.memory_space<hbm>>) dst(%arg15 : memref<2048xf32, #tpu.memory_space<vmem>>)
      %scan3A_130 = arith.constant 0 : i32
      %scan3A_131 = arith.constant 16 : i32
      %scan3A_132 = arith.addi %scan3A_130, %scan3A_131 : i32
      %scan3A_133 = arith.constant 1 : i32
      scf.for %scan3A_135 = %scan3A_130 to %scan3A_132 step %scan3A_133  : i32 {
        %mul3A_136 = arith.constant 1 : i32
        %mul3A_137 = arith.muli %scan3A_135, %mul3A_136 : i32
        %add3A_138 = arith.constant 0 : i32
        %add3A_139 = arith.addi %add3A_138, %mul3A_137 : i32
        %parallel_loop3A = arith.constant 0 : i32
        %parallel_loop3A_140 = arith.constant 128 : i32
        %parallel_loop3A_141 = arith.constant 16 : i32
        scf.for %parallel_loop3A_142 = %parallel_loop3A to %parallel_loop3A_140 step %parallel_loop3A_141  : i32 {
          %parallel_loop3A_143 = arith.constant 0 : i32
          %parallel_loop3A_144 = arith.index_cast %add3A_139 : i32 to index
          %parallel_loop3A_145 = arith.index_cast %parallel_loop3A_143 : i32 to index
          %parallel_loop3A_146 = arith.index_cast %parallel_loop3A_142 : i32 to index
          %parallel_loop3A_147 = tpu.vector_load %arg13[%parallel_loop3A_144, %parallel_loop3A_145, %parallel_loop3A_146] {strides = array<i32>} : memref<16x2x128xi32, #tpu.memory_space<vmem>>, vector<16xi32>,
          %parallel_loop3A_148 = arith.constant 1 : i32
          %parallel_loop3A_149 = arith.index_cast %add3A_139 : i32 to index
          %parallel_loop3A_150 = arith.index_cast %parallel_loop3A_148 : i32 to index
          %parallel_loop3A_151 = arith.index_cast %parallel_loop3A_142 : i32 to index
          %parallel_loop3A_152 = tpu.vector_load %arg13[%parallel_loop3A_149, %parallel_loop3A_150, %parallel_loop3A_151] {strides = array<i32>} : memref<16x2x128xi32, #tpu.memory_space<vmem>>, vector<16xi32>,
          %parallel_loop3A_153 = arith.constant 128 : i32
          %parallel_loop3A_154 = arith.muli %add3A_139, %parallel_loop3A_153 : i32
          %parallel_loop3A_155 = arith.addi %parallel_loop3A_154, %parallel_loop3A_142 : i32
          %parallel_loop3A_156 = arith.index_cast %parallel_loop3A_155 : i32 to index
          %parallel_loop3A_157 = tpu.vector_load %arg15[%parallel_loop3A_156] {strides = array<i32>} : memref<2048xf32, #tpu.memory_space<vmem>>, vector<16xf32>,
          %parallel_loop3A_158 = tpu.vector_load_idx %arg6[%parallel_loop3A_147] : memref<16384xf32, #tpu.memory_space<vmem>>[vector<16xi32>], vector<16xf32>,
          %parallel_loop3A_159 = vector.bitcast %parallel_loop3A_158 : vector<16xf32> to vector<16xi32>
          %parallel_loop3A_160 = arith.constant -65536 : i32
          %parallel_loop3A_161 = vector.broadcast %parallel_loop3A_160 : i32 to vector<16xi32>
          %parallel_loop3A_162 = arith.andi %parallel_loop3A_159, %parallel_loop3A_161 : vector<16xi32>
          %parallel_loop3A_163 = vector.bitcast %parallel_loop3A_162 : vector<16xi32> to vector<16xf32>
          %parallel_loop3A_164 = arith.constant 16 : i32
          %parallel_loop3A_165 = vector.broadcast %parallel_loop3A_164 : i32 to vector<16xi32>
          %parallel_loop3A_166 = arith.shli %parallel_loop3A_159, %parallel_loop3A_165 : vector<16xi32>
          %parallel_loop3A_167 = vector.bitcast %parallel_loop3A_166 : vector<16xi32> to vector<16xf32>
          %parallel_loop3A_168 = arith.mulf %parallel_loop3A_157, %parallel_loop3A_163 : vector<16xf32>
          tpu.vector_store_idx %arg8[%parallel_loop3A_152], %parallel_loop3A_168 {add = true} : memref<16384xf32, #tpu.memory_space<vmem>>[vector<16xi32>], vector<16xf32>,
          %parallel_loop3A_169 = arith.mulf %parallel_loop3A_157, %parallel_loop3A_167 : vector<16xf32>
          tpu.vector_store_idx %arg9[%parallel_loop3A_152], %parallel_loop3A_169 {add = true} : memref<16384xf32, #tpu.memory_space<vmem>>[vector<16xi32>], vector<16xf32>,
          %parallel_loop3A_170 = tpu.vector_load_idx %arg7[%parallel_loop3A_147] : memref<16384xf32, #tpu.memory_space<vmem>>[vector<16xi32>], vector<16xf32>,
          %parallel_loop3A_171 = vector.bitcast %parallel_loop3A_170 : vector<16xf32> to vector<16xi32>
          %parallel_loop3A_172 = arith.constant -65536 : i32
          %parallel_loop3A_173 = vector.broadcast %parallel_loop3A_172 : i32 to vector<16xi32>
          %parallel_loop3A_174 = arith.andi %parallel_loop3A_171, %parallel_loop3A_173 : vector<16xi32>
          %parallel_loop3A_175 = vector.bitcast %parallel_loop3A_174 : vector<16xi32> to vector<16xf32>
          %parallel_loop3A_176 = arith.constant 16 : i32
          %parallel_loop3A_177 = vector.broadcast %parallel_loop3A_176 : i32 to vector<16xi32>
          %parallel_loop3A_178 = arith.shli %parallel_loop3A_171, %parallel_loop3A_177 : vector<16xi32>
          %parallel_loop3A_179 = vector.bitcast %parallel_loop3A_178 : vector<16xi32> to vector<16xf32>
          %parallel_loop3A_180 = arith.mulf %parallel_loop3A_157, %parallel_loop3A_175 : vector<16xf32>
          tpu.vector_store_idx %arg10[%parallel_loop3A_152], %parallel_loop3A_180 {add = true} : memref<16384xf32, #tpu.memory_space<vmem>>[vector<16xi32>], vector<16xf32>,
          %parallel_loop3A_181 = arith.mulf %parallel_loop3A_157, %parallel_loop3A_179 : vector<16xf32>
          tpu.vector_store_idx %arg11[%parallel_loop3A_152], %parallel_loop3A_181 {add = true} : memref<16384xf32, #tpu.memory_space<vmem>>[vector<16xi32>], vector<16xf32>,
        } {sc.loop_unroll_factor = 8 : i64, sc.parallel_access}
      }
      %scan3A_134 = arith.constant 16 : i32
    }
    %scan3A_61 = arith.constant 41 : i32
    %mul3A_62 = arith.constant 4 : i32
    %mul3A_63 = arith.muli %mul3A_62, %select_n3A_9 : i32
    "tpu.region"() ({
      %run_scoped3A = tpu.sem_alloc : memref<!tpu.dma_semaphore, #tpu.memory_space<semaphore_mem>>
      %dma_start3A_76 = arith.constant 0 : i32
      %dma_start3A_77 = tpu.memref_slice %arg5[%select_n3A_30, %mul3A_63, %dma_start3A_76] : memref<16x8x16384xf32, #tpu.memory_space<hbm>> -> memref<1x1x16384xf32, #tpu.memory_space<hbm>>
      %dma_start3A_78 = tpu.memref_squeeze %dma_start3A_77 : memref<1x1x16384xf32, #tpu.memory_space<hbm>> -> memref<16384xf32, #tpu.memory_space<hbm>>
      %dma_start3A_79 = arith.constant 0 : i32
      %dma_start3A_80 = tpu.memref_slice %arg5[%select_n3A_30, %mul3A_63, %dma_start3A_79] : memref<16x8x16384xf32, #tpu.memory_space<hbm>> -> memref<1x1x16384xf32, #tpu.memory_space<hbm>>
      %dma_start3A_81 = tpu.memref_squeeze %dma_start3A_80 : memref<1x1x16384xf32, #tpu.memory_space<hbm>> -> memref<16384xf32, #tpu.memory_space<hbm>>
      tpu.enqueue_dma source(%arg8 : memref<16384xf32, #tpu.memory_space<vmem>>) target(%dma_start3A_81 : memref<16384xf32, #tpu.memory_space<hbm>>) target_semaphore(%run_scoped3A : memref<!tpu.dma_semaphore, #tpu.memory_space<semaphore_mem>>)
      %dma_wait3A = arith.constant 0 : i32
      %dma_wait3A_82 = tpu.memref_slice %arg5[%select_n3A_30, %mul3A_63, %dma_wait3A] : memref<16x8x16384xf32, #tpu.memory_space<hbm>> -> memref<1x1x16384xf32, #tpu.memory_space<hbm>>
      %dma_wait3A_83 = tpu.memref_squeeze %dma_wait3A_82 : memref<1x1x16384xf32, #tpu.memory_space<hbm>> -> memref<16384xf32, #tpu.memory_space<hbm>>
      %dma_wait3A_84 = arith.constant 0 : i32
      %dma_wait3A_85 = tpu.memref_slice %arg5[%select_n3A_30, %mul3A_63, %dma_wait3A_84] : memref<16x8x16384xf32, #tpu.memory_space<hbm>> -> memref<1x1x16384xf32, #tpu.memory_space<hbm>>
      %dma_wait3A_86 = tpu.memref_squeeze %dma_wait3A_85 : memref<1x1x16384xf32, #tpu.memory_space<hbm>> -> memref<16384xf32, #tpu.memory_space<hbm>>
      tpu.wait_dma2 semaphore(%run_scoped3A : memref<!tpu.dma_semaphore, #tpu.memory_space<semaphore_mem>>) src(%arg8 : memref<16384xf32, #tpu.memory_space<vmem>>) dst(%dma_wait3A_86 : memref<16384xf32, #tpu.memory_space<hbm>>)
      tpu.yield
    }) : () -> ()
    %mul3A_64 = arith.constant 4 : i32
    %mul3A_65 = arith.muli %mul3A_64, %select_n3A_9 : i32
    %add3A_66 = arith.constant 1 : i32
    %add3A_67 = arith.addi %mul3A_65, %add3A_66 : i32
    "tpu.region"() ({
      %run_scoped3A = tpu.sem_alloc : memref<!tpu.dma_semaphore, #tpu.memory_space<semaphore_mem>>
      %dma_start3A_76 = arith.constant 0 : i32
      %dma_start3A_77 = tpu.memref_slice %arg5[%select_n3A_30, %add3A_67, %dma_start3A_76] : memref<16x8x16384xf32, #tpu.memory_space<hbm>> -> memref<1x1x16384xf32, #tpu.memory_space<hbm>>
      %dma_start3A_78 = tpu.memref_squeeze %dma_start3A_77 : memref<1x1x16384xf32, #tpu.memory_space<hbm>> -> memref<16384xf32, #tpu.memory_space<hbm>>
      %dma_start3A_79 = arith.constant 0 : i32
      %dma_start3A_80 = tpu.memref_slice %arg5[%select_n3A_30, %add3A_67, %dma_start3A_79] : memref<16x8x16384xf32, #tpu.memory_space<hbm>> -> memref<1x1x16384xf32, #tpu.memory_space<hbm>>
      %dma_start3A_81 = tpu.memref_squeeze %dma_start3A_80 : memref<1x1x16384xf32, #tpu.memory_space<hbm>> -> memref<16384xf32, #tpu.memory_space<hbm>>
      tpu.enqueue_dma source(%arg9 : memref<16384xf32, #tpu.memory_space<vmem>>) target(%dma_start3A_81 : memref<16384xf32, #tpu.memory_space<hbm>>) target_semaphore(%run_scoped3A : memref<!tpu.dma_semaphore, #tpu.memory_space<semaphore_mem>>)
      %dma_wait3A = arith.constant 0 : i32
      %dma_wait3A_82 = tpu.memref_slice %arg5[%select_n3A_30, %add3A_67, %dma_wait3A] : memref<16x8x16384xf32, #tpu.memory_space<hbm>> -> memref<1x1x16384xf32, #tpu.memory_space<hbm>>
      %dma_wait3A_83 = tpu.memref_squeeze %dma_wait3A_82 : memref<1x1x16384xf32, #tpu.memory_space<hbm>> -> memref<16384xf32, #tpu.memory_space<hbm>>
      %dma_wait3A_84 = arith.constant 0 : i32
      %dma_wait3A_85 = tpu.memref_slice %arg5[%select_n3A_30, %add3A_67, %dma_wait3A_84] : memref<16x8x16384xf32, #tpu.memory_space<hbm>> -> memref<1x1x16384xf32, #tpu.memory_space<hbm>>
      %dma_wait3A_86 = tpu.memref_squeeze %dma_wait3A_85 : memref<1x1x16384xf32, #tpu.memory_space<hbm>> -> memref<16384xf32, #tpu.memory_space<hbm>>
      tpu.wait_dma2 semaphore(%run_scoped3A : memref<!tpu.dma_semaphore, #tpu.memory_space<semaphore_mem>>) src(%arg9 : memref<16384xf32, #tpu.memory_space<vmem>>) dst(%dma_wait3A_86 : memref<16384xf32, #tpu.memory_space<hbm>>)
      tpu.yield
    }) : () -> ()
    %mul3A_68 = arith.constant 4 : i32
    %mul3A_69 = arith.muli %mul3A_68, %select_n3A_9 : i32
    %add3A_70 = arith.constant 2 : i32
    %add3A_71 = arith.addi %mul3A_69, %add3A_70 : i32
    "tpu.region"() ({
      %run_scoped3A = tpu.sem_alloc : memref<!tpu.dma_semaphore, #tpu.memory_space<semaphore_mem>>
      %dma_start3A_76 = arith.constant 0 : i32
      %dma_start3A_77 = tpu.memref_slice %arg5[%select_n3A_30, %add3A_71, %dma_start3A_76] : memref<16x8x16384xf32, #tpu.memory_space<hbm>> -> memref<1x1x16384xf32, #tpu.memory_space<hbm>>
      %dma_start3A_78 = tpu.memref_squeeze %dma_start3A_77 : memref<1x1x16384xf32, #tpu.memory_space<hbm>> -> memref<16384xf32, #tpu.memory_space<hbm>>
      %dma_start3A_79 = arith.constant 0 : i32
      %dma_start3A_80 = tpu.memref_slice %arg5[%select_n3A_30, %add3A_71, %dma_start3A_79] : memref<16x8x16384xf32, #tpu.memory_space<hbm>> -> memref<1x1x16384xf32, #tpu.memory_space<hbm>>
      %dma_start3A_81 = tpu.memref_squeeze %dma_start3A_80 : memref<1x1x16384xf32, #tpu.memory_space<hbm>> -> memref<16384xf32, #tpu.memory_space<hbm>>
      tpu.enqueue_dma source(%arg10 : memref<16384xf32, #tpu.memory_space<vmem>>) target(%dma_start3A_81 : memref<16384xf32, #tpu.memory_space<hbm>>) target_semaphore(%run_scoped3A : memref<!tpu.dma_semaphore, #tpu.memory_space<semaphore_mem>>)
      %dma_wait3A = arith.constant 0 : i32
      %dma_wait3A_82 = tpu.memref_slice %arg5[%select_n3A_30, %add3A_71, %dma_wait3A] : memref<16x8x16384xf32, #tpu.memory_space<hbm>> -> memref<1x1x16384xf32, #tpu.memory_space<hbm>>
      %dma_wait3A_83 = tpu.memref_squeeze %dma_wait3A_82 : memref<1x1x16384xf32, #tpu.memory_space<hbm>> -> memref<16384xf32, #tpu.memory_space<hbm>>
      %dma_wait3A_84 = arith.constant 0 : i32
      %dma_wait3A_85 = tpu.memref_slice %arg5[%select_n3A_30, %add3A_71, %dma_wait3A_84] : memref<16x8x16384xf32, #tpu.memory_space<hbm>> -> memref<1x1x16384xf32, #tpu.memory_space<hbm>>
      %dma_wait3A_86 = tpu.memref_squeeze %dma_wait3A_85 : memref<1x1x16384xf32, #tpu.memory_space<hbm>> -> memref<16384xf32, #tpu.memory_space<hbm>>
      tpu.wait_dma2 semaphore(%run_scoped3A : memref<!tpu.dma_semaphore, #tpu.memory_space<semaphore_mem>>) src(%arg10 : memref<16384xf32, #tpu.memory_space<vmem>>) dst(%dma_wait3A_86 : memref<16384xf32, #tpu.memory_space<hbm>>)
      tpu.yield
    }) : () -> ()
    %mul3A_72 = arith.constant 4 : i32
    %mul3A_73 = arith.muli %mul3A_72, %select_n3A_9 : i32
    %add3A_74 = arith.constant 3 : i32
    %add3A_75 = arith.addi %mul3A_73, %add3A_74 : i32
    "tpu.region"() ({
      %run_scoped3A = tpu.sem_alloc : memref<!tpu.dma_semaphore, #tpu.memory_space<semaphore_mem>>
      %dma_start3A_76 = arith.constant 0 : i32
      %dma_start3A_77 = tpu.memref_slice %arg5[%select_n3A_30, %add3A_75, %dma_start3A_76] : memref<16x8x16384xf32, #tpu.memory_space<hbm>> -> memref<1x1x16384xf32, #tpu.memory_space<hbm>>
      %dma_start3A_78 = tpu.memref_squeeze %dma_start3A_77 : memref<1x1x16384xf32, #tpu.memory_space<hbm>> -> memref<16384xf32, #tpu.memory_space<hbm>>
      %dma_start3A_79 = arith.constant 0 : i32
      %dma_start3A_80 = tpu.memref_slice %arg5[%select_n3A_30, %add3A_75, %dma_start3A_79] : memref<16x8x16384xf32, #tpu.memory_space<hbm>> -> memref<1x1x16384xf32, #tpu.memory_space<hbm>>
      %dma_start3A_81 = tpu.memref_squeeze %dma_start3A_80 : memref<1x1x16384xf32, #tpu.memory_space<hbm>> -> memref<16384xf32, #tpu.memory_space<hbm>>
      tpu.enqueue_dma source(%arg11 : memref<16384xf32, #tpu.memory_space<vmem>>) target(%dma_start3A_81 : memref<16384xf32, #tpu.memory_space<hbm>>) target_semaphore(%run_scoped3A : memref<!tpu.dma_semaphore, #tpu.memory_space<semaphore_mem>>)
      %dma_wait3A = arith.constant 0 : i32
      %dma_wait3A_82 = tpu.memref_slice %arg5[%select_n3A_30, %add3A_75, %dma_wait3A] : memref<16x8x16384xf32, #tpu.memory_space<hbm>> -> memref<1x1x16384xf32, #tpu.memory_space<hbm>>
      %dma_wait3A_83 = tpu.memref_squeeze %dma_wait3A_82 : memref<1x1x16384xf32, #tpu.memory_space<hbm>> -> memref<16384xf32, #tpu.memory_space<hbm>>
      %dma_wait3A_84 = arith.constant 0 : i32
      %dma_wait3A_85 = tpu.memref_slice %arg5[%select_n3A_30, %add3A_75, %dma_wait3A_84] : memref<16x8x16384xf32, #tpu.memory_space<hbm>> -> memref<1x1x16384xf32, #tpu.memory_space<hbm>>
      %dma_wait3A_86 = tpu.memref_squeeze %dma_wait3A_85 : memref<1x1x16384xf32, #tpu.memory_space<hbm>> -> memref<16384xf32, #tpu.memory_space<hbm>>
      tpu.wait_dma2 semaphore(%run_scoped3A : memref<!tpu.dma_semaphore, #tpu.memory_space<semaphore_mem>>) src(%arg11 : memref<16384xf32, #tpu.memory_space<vmem>>) dst(%dma_wait3A_86 : memref<16384xf32, #tpu.memory_space<hbm>>)
      tpu.yield
    }) : () -> ()
    return
  }
}

module attributes {stable_mosaic.version = 14 : i64} {
  func.func @_reduce_body(%arg0: memref<16x8x128x128xf32, #tpu.memory_space<vmem>>, %arg1: memref<1x128x128xf32, #tpu.memory_space<vmem>>, %arg2: memref<8x128x128xf32, #tpu.memory_space<vmem>>) attributes {dimension_semantics = [], scalar_prefetch = 0 : i64, scratch_operands = 0 : i64, tpu.core_type = #tpu.core_type<tc>} {
    %get3A = arith.constant 0 : index
    %get3A_0 = arith.constant 0 : index
    %get3A_1 = arith.constant 0 : index
    %get3A_2 = arith.constant 0 : index
    %get3A_3 = vector.load %arg0[%get3A, %get3A_0, %get3A_1, %get3A_2] : memref<16x8x128x128xf32, #tpu.memory_space<vmem>>, vector<1x8x128x128xf32>
    %get3A_4 = vector.shape_cast %get3A_3 : vector<1x8x128x128xf32> to vector<8x128x128xf32>
    %get3A_5 = arith.constant 1 : index
    %get3A_6 = arith.constant 0 : index
    %get3A_7 = arith.constant 0 : index
    %get3A_8 = arith.constant 0 : index
    %get3A_9 = vector.load %arg0[%get3A_5, %get3A_6, %get3A_7, %get3A_8] : memref<16x8x128x128xf32, #tpu.memory_space<vmem>>, vector<1x8x128x128xf32>
    %get3A_10 = vector.shape_cast %get3A_9 : vector<1x8x128x128xf32> to vector<8x128x128xf32>
    %add3A = arith.addf %get3A_4, %get3A_10 : vector<8x128x128xf32>
    %get3A_11 = arith.constant 2 : index
    %get3A_12 = arith.constant 0 : index
    %get3A_13 = arith.constant 0 : index
    %get3A_14 = arith.constant 0 : index
    %get3A_15 = vector.load %arg0[%get3A_11, %get3A_12, %get3A_13, %get3A_14] : memref<16x8x128x128xf32, #tpu.memory_space<vmem>>, vector<1x8x128x128xf32>
    %get3A_16 = vector.shape_cast %get3A_15 : vector<1x8x128x128xf32> to vector<8x128x128xf32>
    %add3A_17 = arith.addf %add3A, %get3A_16 : vector<8x128x128xf32>
    %get3A_18 = arith.constant 3 : index
    %get3A_19 = arith.constant 0 : index
    %get3A_20 = arith.constant 0 : index
    %get3A_21 = arith.constant 0 : index
    %get3A_22 = vector.load %arg0[%get3A_18, %get3A_19, %get3A_20, %get3A_21] : memref<16x8x128x128xf32, #tpu.memory_space<vmem>>, vector<1x8x128x128xf32>
    %get3A_23 = vector.shape_cast %get3A_22 : vector<1x8x128x128xf32> to vector<8x128x128xf32>
    %add3A_24 = arith.addf %add3A_17, %get3A_23 : vector<8x128x128xf32>
    %get3A_25 = arith.constant 4 : index
    %get3A_26 = arith.constant 0 : index
    %get3A_27 = arith.constant 0 : index
    %get3A_28 = arith.constant 0 : index
    %get3A_29 = vector.load %arg0[%get3A_25, %get3A_26, %get3A_27, %get3A_28] : memref<16x8x128x128xf32, #tpu.memory_space<vmem>>, vector<1x8x128x128xf32>
    %get3A_30 = vector.shape_cast %get3A_29 : vector<1x8x128x128xf32> to vector<8x128x128xf32>
    %add3A_31 = arith.addf %add3A_24, %get3A_30 : vector<8x128x128xf32>
    %get3A_32 = arith.constant 5 : index
    %get3A_33 = arith.constant 0 : index
    %get3A_34 = arith.constant 0 : index
    %get3A_35 = arith.constant 0 : index
    %get3A_36 = vector.load %arg0[%get3A_32, %get3A_33, %get3A_34, %get3A_35] : memref<16x8x128x128xf32, #tpu.memory_space<vmem>>, vector<1x8x128x128xf32>
    %get3A_37 = vector.shape_cast %get3A_36 : vector<1x8x128x128xf32> to vector<8x128x128xf32>
    %add3A_38 = arith.addf %add3A_31, %get3A_37 : vector<8x128x128xf32>
    %get3A_39 = arith.constant 6 : index
    %get3A_40 = arith.constant 0 : index
    %get3A_41 = arith.constant 0 : index
    %get3A_42 = arith.constant 0 : index
    %get3A_43 = vector.load %arg0[%get3A_39, %get3A_40, %get3A_41, %get3A_42] : memref<16x8x128x128xf32, #tpu.memory_space<vmem>>, vector<1x8x128x128xf32>
    %get3A_44 = vector.shape_cast %get3A_43 : vector<1x8x128x128xf32> to vector<8x128x128xf32>
    %add3A_45 = arith.addf %add3A_38, %get3A_44 : vector<8x128x128xf32>
    %get3A_46 = arith.constant 7 : index
    %get3A_47 = arith.constant 0 : index
    %get3A_48 = arith.constant 0 : index
    %get3A_49 = arith.constant 0 : index
    %get3A_50 = vector.load %arg0[%get3A_46, %get3A_47, %get3A_48, %get3A_49] : memref<16x8x128x128xf32, #tpu.memory_space<vmem>>, vector<1x8x128x128xf32>
    %get3A_51 = vector.shape_cast %get3A_50 : vector<1x8x128x128xf32> to vector<8x128x128xf32>
    %add3A_52 = arith.addf %add3A_45, %get3A_51 : vector<8x128x128xf32>
    %get3A_53 = arith.constant 8 : index
    %get3A_54 = arith.constant 0 : index
    %get3A_55 = arith.constant 0 : index
    %get3A_56 = arith.constant 0 : index
    %get3A_57 = vector.load %arg0[%get3A_53, %get3A_54, %get3A_55, %get3A_56] : memref<16x8x128x128xf32, #tpu.memory_space<vmem>>, vector<1x8x128x128xf32>
    %get3A_58 = vector.shape_cast %get3A_57 : vector<1x8x128x128xf32> to vector<8x128x128xf32>
    %add3A_59 = arith.addf %add3A_52, %get3A_58 : vector<8x128x128xf32>
    %get3A_60 = arith.constant 9 : index
    %get3A_61 = arith.constant 0 : index
    %get3A_62 = arith.constant 0 : index
    %get3A_63 = arith.constant 0 : index
    %get3A_64 = vector.load %arg0[%get3A_60, %get3A_61, %get3A_62, %get3A_63] : memref<16x8x128x128xf32, #tpu.memory_space<vmem>>, vector<1x8x128x128xf32>
    %get3A_65 = vector.shape_cast %get3A_64 : vector<1x8x128x128xf32> to vector<8x128x128xf32>
    %add3A_66 = arith.addf %add3A_59, %get3A_65 : vector<8x128x128xf32>
    %get3A_67 = arith.constant 10 : index
    %get3A_68 = arith.constant 0 : index
    %get3A_69 = arith.constant 0 : index
    %get3A_70 = arith.constant 0 : index
    %get3A_71 = vector.load %arg0[%get3A_67, %get3A_68, %get3A_69, %get3A_70] : memref<16x8x128x128xf32, #tpu.memory_space<vmem>>, vector<1x8x128x128xf32>
    %get3A_72 = vector.shape_cast %get3A_71 : vector<1x8x128x128xf32> to vector<8x128x128xf32>
    %add3A_73 = arith.addf %add3A_66, %get3A_72 : vector<8x128x128xf32>
    %get3A_74 = arith.constant 11 : index
    %get3A_75 = arith.constant 0 : index
    %get3A_76 = arith.constant 0 : index
    %get3A_77 = arith.constant 0 : index
    %get3A_78 = vector.load %arg0[%get3A_74, %get3A_75, %get3A_76, %get3A_77] : memref<16x8x128x128xf32, #tpu.memory_space<vmem>>, vector<1x8x128x128xf32>
    %get3A_79 = vector.shape_cast %get3A_78 : vector<1x8x128x128xf32> to vector<8x128x128xf32>
    %add3A_80 = arith.addf %add3A_73, %get3A_79 : vector<8x128x128xf32>
    %get3A_81 = arith.constant 12 : index
    %get3A_82 = arith.constant 0 : index
    %get3A_83 = arith.constant 0 : index
    %get3A_84 = arith.constant 0 : index
    %get3A_85 = vector.load %arg0[%get3A_81, %get3A_82, %get3A_83, %get3A_84] : memref<16x8x128x128xf32, #tpu.memory_space<vmem>>, vector<1x8x128x128xf32>
    %get3A_86 = vector.shape_cast %get3A_85 : vector<1x8x128x128xf32> to vector<8x128x128xf32>
    %add3A_87 = arith.addf %add3A_80, %get3A_86 : vector<8x128x128xf32>
    %get3A_88 = arith.constant 13 : index
    %get3A_89 = arith.constant 0 : index
    %get3A_90 = arith.constant 0 : index
    %get3A_91 = arith.constant 0 : index
    %get3A_92 = vector.load %arg0[%get3A_88, %get3A_89, %get3A_90, %get3A_91] : memref<16x8x128x128xf32, #tpu.memory_space<vmem>>, vector<1x8x128x128xf32>
    %get3A_93 = vector.shape_cast %get3A_92 : vector<1x8x128x128xf32> to vector<8x128x128xf32>
    %add3A_94 = arith.addf %add3A_87, %get3A_93 : vector<8x128x128xf32>
    %get3A_95 = arith.constant 14 : index
    %get3A_96 = arith.constant 0 : index
    %get3A_97 = arith.constant 0 : index
    %get3A_98 = arith.constant 0 : index
    %get3A_99 = vector.load %arg0[%get3A_95, %get3A_96, %get3A_97, %get3A_98] : memref<16x8x128x128xf32, #tpu.memory_space<vmem>>, vector<1x8x128x128xf32>
    %get3A_100 = vector.shape_cast %get3A_99 : vector<1x8x128x128xf32> to vector<8x128x128xf32>
    %add3A_101 = arith.addf %add3A_94, %get3A_100 : vector<8x128x128xf32>
    %get3A_102 = arith.constant 15 : index
    %get3A_103 = arith.constant 0 : index
    %get3A_104 = arith.constant 0 : index
    %get3A_105 = arith.constant 0 : index
    %get3A_106 = vector.load %arg0[%get3A_102, %get3A_103, %get3A_104, %get3A_105] : memref<16x8x128x128xf32, #tpu.memory_space<vmem>>, vector<1x8x128x128xf32>
    %get3A_107 = vector.shape_cast %get3A_106 : vector<1x8x128x128xf32> to vector<8x128x128xf32>
    %add3A_108 = arith.addf %add3A_101, %get3A_107 : vector<8x128x128xf32>
    %get3A_109 = arith.constant 0 : index
    %get3A_110 = arith.constant 0 : index
    %get3A_111 = arith.constant 0 : index
    %get3A_112 = vector.load %arg1[%get3A_109, %get3A_110, %get3A_111] : memref<1x128x128xf32, #tpu.memory_space<vmem>>, vector<1x128x128xf32>
    %add3A_113 = vector.broadcast %get3A_112 : vector<1x128x128xf32> to vector<8x128x128xf32>
    %add3A_114 = arith.addf %add3A_108, %add3A_113 : vector<8x128x128xf32>
    %swap3A = arith.constant 0 : index
    %swap3A_115 = arith.constant 0 : index
    %swap3A_116 = arith.constant 0 : index
    %swap3A_117 = vector.load %arg2[%swap3A, %swap3A_115, %swap3A_116] : memref<8x128x128xf32, #tpu.memory_space<vmem>>, vector<8x128x128xf32>
    tpu.vector_store %arg2[%swap3A, %swap3A_115, %swap3A_116], %add3A_114 {strides = array<i32>} : memref<8x128x128xf32, #tpu.memory_space<vmem>>, vector<8x128x128xf32>,
    return
  }
}

</mosaic_0001>

<sc_bundles>
// kernel: kernel.4.cloned.1.call-start
scs
__scs_entry_jumppad:
0x0: {  	(pc) =	sbr.rel $0x88, $3  }
0x1: {  	(tag) =	ssettag $0x0;
	lr =	simm.s32 $0x1  }
0x2: {  	[smem:$0x3F9D] =	sst lr;
	_ =	strace $0xD0000000  }
0x3: {  	_ = 	snop  }
0x4: {  	_ = 	snop  }
0x5: {  	_ = 	snop  }
0x6: {  	_ = 	snop  }
0x7: {  	_ = 	snop  }
__scs_overlays_trampoline_lowered:
0x8: {  	[smem:$0x3FAC] =	sst s0  }
0x9: {  	[smem:$0x3FAD] =	sst s1  }
0xa: {  	[smem:$0x3FAE] =	sst s2  }
0xb: {  	[smem:$0x3FAF] =	sst s3  }
0xc: {  	[smem:$0x3FB0] =	sst s4  }
0xd: {  	[smem:$0x3FB1] =	sst s5  }
0xe: {  	[smem:$0x3FB2] =	sst s6  }
0xf: {  	[smem:$0x3FB3] =	sst s7  }
0x10: {  	[smem:$0x3FB4] =	sst s8  }
0x11: {  	[smem:$0x3FB5] =	sst s9;
	s0 =	simm.s32 @!p0 $0x0  }
0x12: {  	s1 =	sld [smem:$0x3F9B];
	s0 =	simm.s32 @p0 $0x1  }
0x13: {  	[smem:$0x3FB6] =	sst s0;
	s0 =	simm.s32 @!p1 $0x0  }
0x14: {  	s2 =	sld [smem:$0x3F9A];
	s0 =	simm.s32 @p1 $0x1  }
0x15: {  	[smem:$0x3FB7] =	sst s0;
	s0 =	simm.s32 @!p2 $0x0  }
0x16: {  	s3 =	sld [smem:$0x3FDB];
	s0 =	simm.s32 @p2 $0x1  }
0x17: {  	s4 =	simm.s32 $0x1BF5;
	[smem:$0x3FB9] =	sst s0  }
0x18: {  	s0 =	sld [smem:$0x3F9C];
	_ =	swait.ge [sflag:s4], $0x0  }
0x19: {  	s7 =	sld [smem:$0x3F9D]  }
0x1a: {  	s8 =	sadd.s32 $0xFFFFE003, lr  }
0x1b: {  	s9 =	sadd.s32 $0xFFFFFEF7, lr;
	s5 =	simm.s32 $0xFFFFFFFF;
	p2 =	slt.u32 s8, $0xFFFFF086  }
0x1c: {  	p1 =	slt.u32 s9, $0xF7A;
	s5 =	simm.s32 @!p2 $0x0  }
0x1d: {  	s5 =	simm.s32 @p1 $0x1;
	p0 =	seq.s32 s7, s2  }
0x1e: {  	s7 =	smul.u32 @!p0 $0xF7A, s2;
	p2 =	seq.s32 @!p0 s5, $0x0  }
0x1f: {  	s9 =	smul.u32 $0xF7A, s1;
	s8 =	simm.s32 @!p0 $0x1BF5;
	p2 =	por !p2, p0  }
0x20: {  	[sflag:s8] =	ssyncset.s32 @!p0 $0xFFFFF086;
	s6 =	sadd.s32 @!p0 s3, s7;
	s7 =	simm.s32 @!p0 $0x108  }
0x21: {  	s3 =	sadd.s32 s3, s9;
	s6 =	sadd.s32 @!p0 $0x88, s6;
	s7 =	simm.s32 @p2 $0x1082  }
0x22: {  	[simem:s7], [sflag:s8] =	dma.local @!p0 [hbm:s6], $0xF7A  }
0x23: {  	s9 =	sor.u32 $0xD0000000, s2;
	s6 =	simm.s32 $0x108;
	_ =	swait.ge @!p0 [sflag:s8], $0x0  }
0x24: {  	s3 =	sadd.s32 $0x88, s3;
	s6 =	simm.s32 @!p1 $0x1082;
	[sflag:s4] =	ssyncset.s32 $0xFFFFF086  }
0x25: {  	[simem:s6], [sflag:s4] =	dma.local [hbm:s3], $0xF7A  }
0x26: {  	[smem:$0x3F9D] =	sst s1;
	(tag) =	ssettag s2;
	_ =	strace s9  }
0x27: {  	s1 =	sld [smem:$0x3FAD]  }
0x28: {  	s2 =	sld [smem:$0x3FAE]  }
0x29: {  	s4 =	sld [smem:$0x3FB0]  }
0x2a: {  	p0 =	seq.s32 s5, $0x0;
	s5 =	sld [smem:$0x3FB1]  }
0x2b: {  	s6 =	sld [smem:$0x3FB2]  }
0x2c: {  	s7 =	sld [smem:$0x3FB3]  }
0x2d: {  	s3 =	simm.s32 $0x108;
	s8 =	sld [smem:$0x3FB4]  }
0x2e: {  	s3 =	simm.s32 @!p0 $0x1082;
	s9 =	sld [smem:$0x3FB5]  }
0x2f: {  	lr =	sadd.s32 s0, s3;
	s0 =	sld [smem:$0x3FAC]  }
0x30: {  	s3 =	sld [smem:$0x3FAF]  }
0x31: {  	[smem:$0x3FB8] =	sst s10  }
0x32: {  	s10 =	sld [smem:$0x3FB6];
	_ =	sdelay $0x3  }
0x33: {  	p0 =	seq.s32 s10, $0x1;
	s10 =	sld [smem:$0x3FB8];
	_ =	sdelay $0x3  }
0x34: {  	[smem:$0x3FB8] =	sst s10  }
0x35: {  	s10 =	sld [smem:$0x3FB7];
	_ =	sdelay $0x3  }
0x36: {  	p1 =	seq.s32 s10, $0x1;
	s10 =	sld [smem:$0x3FB8];
	_ =	sdelay $0x3  }
0x37: {  	[smem:$0x3FB8] =	sst s10  }
0x38: {  	s10 =	sld [smem:$0x3FB9]  }
0x39: {  	_ = 	snop;
	(pc) =	sbr.ind lr, $3  }
0x3a: {  	_ = 	snop  }
0x3b: {  	_ = 	snop  }
0x3c: {  	p2 =	seq.s32 s10, $0x1;
	s10 =	sld [smem:$0x3FB8]  }
0x3d: {  	_ =	shalt  }
0x3e: {  	_ =	shalt  }
0x3f: {  	_ =	shalt  }
0x40: {  	_ =	shalt  }
0x41: {  	_ =	shalt  }
0x42: {  	_ =	shalt  }
0x43: {  	_ =	shalt  }
0x44: {  	_ =	shalt  }
0x45: {  	_ =	shalt  }
0x46: {  	_ =	shalt  }
0x47: {  	_ =	shalt  }
0x48: {  	_ =	shalt  }
0x49: {  	_ =	shalt  }
0x4a: {  	_ =	shalt  }
0x4b: {  	_ =	shalt  }
0x4c: {  	_ =	shalt  }
0x4d: {  	_ =	shalt  }
0x4e: {  	_ =	shalt  }
0x4f: {  	_ =	shalt  }
0x50: {  	_ =	shalt  }
0x51: {  	_ =	shalt  }
0x52: {  	_ =	shalt  }
0x53: {  	_ =	shalt  }
0x54: {  	_ =	shalt  }
0x55: {  	_ =	shalt  }
0x56: {  	_ =	shalt  }
0x57: {  	_ =	shalt  }
0x58: {  	_ =	shalt  }
0x59: {  	_ =	shalt  }
0x5a: {  	_ =	shalt  }
0x5b: {  	_ =	shalt  }
0x5c: {  	_ =	shalt  }
0x5d: {  	_ =	shalt  }
0x5e: {  	_ =	shalt  }
0x5f: {  	_ =	shalt  }
0x60: {  	_ =	shalt  }
0x61: {  	_ =	shalt  }
0x62: {  	_ =	shalt  }
0x63: {  	_ =	shalt  }
0x64: {  	_ =	shalt  }
0x65: {  	_ =	shalt  }
0x66: {  	_ =	shalt  }
0x67: {  	_ =	shalt  }
0x68: {  	_ =	shalt  }
0x69: {  	_ =	shalt  }
0x6a: {  	_ =	shalt  }
0x6b: {  	_ =	shalt  }
0x6c: {  	_ =	shalt  }
0x6d: {  	_ =	shalt  }
0x6e: {  	_ =	shalt  }
0x6f: {  	_ =	shalt  }
0x70: {  	_ =	shalt  }
0x71: {  	_ =	shalt  }
0x72: {  	_ =	shalt  }
0x73: {  	_ =	shalt  }
0x74: {  	_ =	shalt  }
0x75: {  	_ =	shalt  }
0x76: {  	_ =	shalt  }
0x77: {  	_ =	shalt  }
0x78: {  	_ =	shalt  }
0x79: {  	_ =	shalt  }
0x7a: {  	_ =	shalt  }
0x7b: {  	_ =	shalt  }
0x7c: {  	_ =	shalt  }
0x7d: {  	_ =	shalt  }
0x7e: {  	_ =	shalt  }
0x7f: {  	_ =	shalt  }
0x80: {  	_ =	shalt  }
0x81: {  	_ =	shalt  }
0x82: {  	_ =	shalt  }
0x83: {  	_ =	shalt  }
0x84: {  	_ =	shalt  }
0x85: {  	_ =	shalt  }
0x86: {  	_ =	shalt  }
0x87: {  	_ =	shalt  }
.Lfunc_end0:
.L_simem_size_0:
called_computation_lowered:
.L_overlay_start_0:
0x88: {  	s2 =	sld [smem:$0x3FD9]  }
0x89: {  	s3 =	sld [smem:$0x3FFE];
	_ =	sdelay $0x1  }
0x8a: {  	s1 =	srdreg.scid  }
0x8b: {  	s0 =	sand.u32 $0x1, s1  }
0x8c: {  	s17 =	sshll.u32 s0, $0xA;
	s2 =	sadd.s32 s3, s2  }
0x8d: {  	s2 =	sadd.s32 s2, s17  }
0x8e: {  	[smem:$0x3FC4] =	sst s2  }
0x8f: {  	_ = 	snop  }
0x90: {  	s2 =	sld [smem:$0x3FD0];
	(tm) =	ssettm $0x1  }
0x91: {  	s18 =	sld [smem:$0x3FFB];
	_ =	sdelay $0x3  }
0x92: {  	_ =	strace s18  }
0x93: {  	s3 =	sld [smem:$0x3FFC];
	_ =	sdelay $0x3  }
0x94: {  	_ =	strace s3  }
0x95: {  	s3 =	sld [smem:$0x3FFD];
	_ =	sdelay $0x3  }
0x96: {  	_ =	strace s3  }
0x97: {  	_ =	strace $0x8FFFFFFF  }
0x98: {  	s19 =	sld [smem:$0x3FDB];
	_ =	sdelay $0x1  }
0x99: {  	s4 =	simm.s32 $_scs_section_size  }
0x9a: {  	s5 =	simm.s32 $_size__tile_overlayer_lowered;
	s6 =	simm.s32 $_tile_overlayer_lowered  }
0x9b: {  	s22 =	simm.s32 $0x1BFF;
	s21 =	sshll.u32 s6, $0x1;
	s3 =	sadd.s32 s4, s19  }
0x9c: {  	s7 =	simm.s32 $0x0;
	s20 =	sshll.u32 s5, $0x1;
	s5 =	sadd.s32 s21, s3  }
0x9d: {  	[timem:s7], [sflag:s22] =	dma.local [hbm:s5], s20  }
0x9e: {  	_ =	swait.ge [sflag:s22], s20  }
0x9f: {  	s4 =	ssub.s32 $0x0, s20;
	[sflag:s22] =	ssyncset.done $0x0  }
0xa0: {  	[sflag:s22] =	ssyncadd.s32 s4;
	_ =	sdelay $0x1  }
0xa1: {  	s23 =	simm.s32 $0x1B8B  }
0xa2: {  	_ =	swait.ge [sflag:s23], $0x1  }
0xa3: {  	[sflag:s23] =	ssyncset.done $0x0  }
0xa4: {  	s25 =	simm.s32 $0x1B8E;
	s24 =	sld [smem:$0x3FFE];
	[sflag:s23] =	ssyncadd.s32 $0xFFFFFFFF  }
0xa5: {  	s26 =	simm.s32 $execute0_lowered;
	[smem:$0x3FD2] =	sst s25  }
0xa6: {  	s5 =	sshll.u32 s26, $0x1;
	_ =	strace $0x80000046;
	[dreg:$0x1] =	wrdreg $0xFFFFFFFF  }
0xa7: {  	s28 =	simm.s32 $_size_execute0_lowered;
	s3 =	sadd.s32 s3, s5;
	[dreg:$0x0] =	wrdreg $0x0  }
0xa8: {  	s5 =	sshll.u32 s28, $0x1;
	[dreg:$0x2] =	wrdreg s3  }
0xa9: {  	[dreg:$0x3] =	wrdreg s5  }
0xaa: {  	[dreg:$0x4] =	wrdreg $0xC0  }
0xab: {  	_ =	task [dreg:s7], $0x5FFFF  }
0xac: {  	[dreg:$0x1] =	wrdreg $0xFFFFFFFF  }
0xad: {  	[dreg:$0x0] =	wrdreg $0x60  }
0xae: {  	[dreg:$0x2] =	wrdreg s2  }
0xaf: {  	[dreg:$0x3] =	wrdreg s24  }
0xb0: {  	[dreg:$0x4] =	wrdreg $0x9  }
0xb1: {  	_ =	task.clear_ibuf [dreg:s7], $0x5FFFF;
	_ =	strace $0x90000046  }
0xb2: {  	s29 =	simm.s32 $0x9;
	_ =	strace $0x80000048  }
0xb3: {  	_ =	swait.ge [sflag:s29], $0x1  }
0xb4: {  	[sflag:s29] =	ssyncadd.s32 $0xFFFFFFFF  }
0xb5: {  	_ =	strace $0x90000048  }
0xb6: {  	_ =	sfence  }
0xb7: {  	s30 =	sld [smem:$0x0];
	_ =	sdelay $0x2  }
0xb8: {  	s31 =	sshll.u32 s1, $0xD;
	s1 =	sshrl.u32 s1, $0x2  }
0xb9: {  	s3 =	sand.u32 $0x4000, s31;
	s1 =	sadd.s32 s1, s30  }
0xba: {  	s0 =	sor.u32 s3, s0;
	s1 =	sshll.u32 s1, $0x11  }
0xbb: {  	s0 =	sor.u32 s1, s0  }
0xbc: {  	s0 =	sadd.s32 $0x8F2B, s0  }
0xbd: {  	[sflag:s0] =	ssyncadd.remote.s32 $0x1  }
0xbe: {  	_ =	sfence.sel $0xFFFF  }
0xbf: {  	[dreg:$0x0] =	wrdreg $0xFFFFFFFF;
	(pc) =	sbr.abs _section_cstart, $3  }
0xc0: {  	[dreg:$0x1] =	wrdreg $0xFFFFFFFF  }
0xc1: {  	_ =	task.clear_ibuf [dreg:s7], $0x2FFFF;
	_ =	strace $0x9FFFFFFF  }
0xc2: {  	(tm) =	ssettm $0x7FFFFFFF  }
0xc3: {  	_ =	shalt  }
tec
execute0_lowered:
.L_overlay_start_1:
0x0: {  	(tag) =	ssettag $0x1  }
0x1: {  	s0 =	srdreg.scid;
	s1 =	rddreg [dreg:$0x0]  }
0x2: {  	s4 =	stileid.u32;
	s8 =	rddreg [dreg:$0x1]  }
0x3: {  	s3 =	simm.s32 $0x1;
	s5 =	simm.s32 $0x1;
	s17 =	simm.s32 $0x5  }
0x4: {  	s18 =	simm.s32 $0x4000;
	s21 =	simm.s32 $0x19000;
	s0 =	sand.u32 $0x1, s0  }
0x5: {  	s22 =	simm.s32 $0x1A800;
	s23 =	simm.s32 $0x3;
	s2 =	sor.u32 s0, s4  }
0x6: {  	s24 =	simm.s32 $0x8000;
	p0 =	seq.s32 s0, $0x1;
	p1 =	seq.s32 s2, $0x0  }
0x7: {  	s28 =	simm.s32 $0x14000;
	s29 =	simm.s32 $0x2;
	p0 =	por !p1, !p0  }
0x8: {  	s30 =	simm.s32 $0x4;
	s31 =	simm.s32 $0x0;
	p0 =	por !p0, !p0  }
0x9: {  	s6 =	sshll.u32 s0, $0x10;
	s10 =	ssub.s32 $0x2, s0;
	s3 =	simm.s32 @!p0 $0x0  }
0xa: {  	s0 =	sshll.u32 s0, $0xC;
	s2 =	simm.s32 $0x0;
	s7 =	ssub.s32 s4, s3  }
0xb: {  	s11 =	sshrl.u32 s10, $0x1;
	[smem:$0x7FF] =	sst s2;
	s9 =	sshll.u32 s7, $0x11  }
0xc: {  	s10 =	ssub.s32 s10, s11;
	s3 =	sadd.s32 $0x52A00, s8;
	s6 =	sor.u32 s6, s9  }
0xd: {  	s4 =	sadd.s32 $0xA00, s8;
	s9 =	sshrl.u32 s6, $0x3;
	s6 =	smul.u32 $0x29000, s7  }
0xe: {  	s7 =	smul.u32 $0x52000, s7;
	s9 =	sadd.s32 s9, s8;
	s8 =	sadd.s32 s1, s0  }
0xf: {  	_ =	strace $0x80000047;
	s16 =	smax.u32 s10, $0x1;
	s0 =	sadd.s32 $0x800, s8  }
0x10: {  	s25 =	sshrl.u32 s7, $0x3;
	s26 =	sshrl.u32 s6, $0x3;
	s12 =	sadd.s32 $0xF6A00, s9  }
0x11: {  	s13 =	sadd.s32 $0xF7200, s9;
	s14 =	sadd.s32 $0xF7A00, s9;
	s15 =	sadd.s32 $0xF8200, s9  }
0x12: {  	[dreg:$0x3] =	wrdreg s0;
	s0 =	sadd.s32 s3, s25;
	s11 =	sadd.s32 s4, s26  }
0x13: {  	v0 =	vimm.f32 $0.0e+00;
	s25 =	simm.s32 $0xC000;
	s26 =	simm.s32 $0x10000;
	[dreg:$0x4] =	wrdreg s0  }
.LBB2_1:
0x14: {  	[tilespmem:s2], [sflag:$0x5] =	stream.linear.gather [hbm4b:s8+s2], $0x4000, $0x38;
	[tilespmem:$0x1B000] =	vst v63  }
0x15: {  	_ =	swait.ge [sflag:s17], $0x4000  }
0x16: {  	[sflag:s17] =	ssyncset.done $0x0  }
0x17: {  	s0 =	rddreg [dreg:$0x3];
	[sflag:s17] =	ssyncadd.s32 $0xFFFFC000  }
0x18: {  	[tilespmem:s18], [sflag:$0x5] =	stream.linear.gather [hbm4b:s0+s2], $0x4000, $0x38;
	[tilespmem:$0x1B000] =	vst v63  }
0x19: {  	_ =	swait.ge [sflag:s17], $0x4000  }
0x1a: {  	[sflag:s17] =	ssyncset.done $0x0  }
0x1b: {  	s0 =	simm.s32 $0x8040;
	[sflag:s17] =	ssyncadd.s32 $0xFFFFC000  }
0x1c: {  	s1 =	simm.s32 $0xC040;
	[tilespmem:s0+$0xFFFFFFC0] =	vst v0  }
0x1d: {  	s10 =	simm.s32 $0x10040;
	[tilespmem:s1+$0xFFFFFFC0] =	vst v0  }
0x1e: {  	s9 =	simm.s32 $0x14040;
	[tilespmem:s10+$0xFFFFFFC0] =	vst v0  }
0x1f: {  	[tilespmem:s9+$0xFFFFFFC0] =	vst v0  }
0x20: {  	[tilespmem:s0+$0xFFFFFFD0] =	vst v0  }
0x21: {  	[tilespmem:s1+$0xFFFFFFD0] =	vst v0  }
0x22: {  	[tilespmem:s10+$0xFFFFFFD0] =	vst v0  }
0x23: {  	[tilespmem:s9+$0xFFFFFFD0] =	vst v0  }
0x24: {  	[tilespmem:s0+$0xFFFFFFE0] =	vst v0  }
0x25: {  	[tilespmem:s1+$0xFFFFFFE0] =	vst v0  }
0x26: {  	[tilespmem:s10+$0xFFFFFFE0] =	vst v0  }
0x27: {  	[tilespmem:s9+$0xFFFFFFE0] =	vst v0  }
0x28: {  	[tilespmem:s0+$0xFFFFFFF0] =	vst v0  }
0x29: {  	[tilespmem:s1+$0xFFFFFFF0] =	vst v0  }
0x2a: {  	[tilespmem:s10+$0xFFFFFFF0] =	vst v0  }
0x2b: {  	[tilespmem:s9+$0xFFFFFFF0] =	vst v0  }
0x2c: {  	[tilespmem:s0+$0x0] =	vst v0  }
0x2d: {  	[tilespmem:s1+$0x0] =	vst v0  }
0x2e: {  	[tilespmem:s10+$0x0] =	vst v0  }
0x2f: {  	[tilespmem:s9+$0x0] =	vst v0  }
0x30: {  	[tilespmem:s0+$0x10] =	vst v0  }
0x31: {  	[tilespmem:s1+$0x10] =	vst v0  }
0x32: {  	[tilespmem:s10+$0x10] =	vst v0  }
0x33: {  	[tilespmem:s9+$0x10] =	vst v0  }
0x34: {  	[tilespmem:s0+$0x20] =	vst v0  }
0x35: {  	[tilespmem:s1+$0x20] =	vst v0  }
0x36: {  	[tilespmem:s10+$0x20] =	vst v0  }
0x37: {  	[tilespmem:s9+$0x20] =	vst v0  }
0x38: {  	[tilespmem:s0+$0x30] =	vst v0  }
0x39: {  	[tilespmem:s1+$0x30] =	vst v0  }
0x3a: {  	s19 =	simm.s32 $0x0;
	s20 =	simm.s32 $0x100C0;
	[tilespmem:s10+$0x30] =	vst v0;
	s10 =	simm.s32 $0x140C0  }
.LBB2_2:
0x3b: {  	s19 =	sadd.s32 $0x8, s19;
	[tilespmem:s9+$0x30] =	vst v0;
	s0 =	sadd.s32 $0x80, s0;
	s1 =	sadd.s32 $0x80, s1  }
0x3c: {  	s9 =	smov.u32 s10;
	[tilespmem:s0+$0xFFFFFFC0] =	vst v0;
	p0 =	slt.u32 s19, $0x3F8  }
0x3d: {  	[tilespmem:s1+$0xFFFFFFC0] =	vst v0  }
0x3e: {  	[tilespmem:s20+$0xFFFFFFC0] =	vst v0  }
0x3f: {  	[tilespmem:s10+$0xFFFFFFC0] =	vst v0  }
0x40: {  	[tilespmem:s0+$0xFFFFFFD0] =	vst v0  }
0x41: {  	[tilespmem:s1+$0xFFFFFFD0] =	vst v0  }
0x42: {  	[tilespmem:s20+$0xFFFFFFD0] =	vst v0  }
0x43: {  	[tilespmem:s10+$0xFFFFFFD0] =	vst v0  }
0x44: {  	[tilespmem:s0+$0xFFFFFFE0] =	vst v0  }
0x45: {  	[tilespmem:s1+$0xFFFFFFE0] =	vst v0  }
0x46: {  	[tilespmem:s20+$0xFFFFFFE0] =	vst v0  }
0x47: {  	[tilespmem:s10+$0xFFFFFFE0] =	vst v0  }
0x48: {  	[tilespmem:s0+$0xFFFFFFF0] =	vst v0  }
0x49: {  	[tilespmem:s1+$0xFFFFFFF0] =	vst v0  }
0x4a: {  	[tilespmem:s20+$0xFFFFFFF0] =	vst v0  }
0x4b: {  	[tilespmem:s10+$0xFFFFFFF0] =	vst v0  }
0x4c: {  	[tilespmem:s0+$0x0] =	vst v0  }
0x4d: {  	[tilespmem:s1+$0x0] =	vst v0  }
0x4e: {  	[tilespmem:s20+$0x0] =	vst v0  }
0x4f: {  	[tilespmem:s10+$0x0] =	vst v0  }
0x50: {  	[tilespmem:s0+$0x10] =	vst v0  }
0x51: {  	[tilespmem:s1+$0x10] =	vst v0  }
0x52: {  	[tilespmem:s20+$0x10] =	vst v0  }
0x53: {  	[tilespmem:s10+$0x10] =	vst v0  }
0x54: {  	[tilespmem:s0+$0x20] =	vst v0  }
0x55: {  	[tilespmem:s1+$0x20] =	vst v0  }
.Ltmp0:
0x56: {  	[tilespmem:s20+$0x20] =	vst v0;
	(pc) =	sbr.rel @p0 .LBB2_2-.Ltmp0, $4  }
0x57: {  	[tilespmem:s10+$0x20] =	vst v0  }
0x58: {  	[tilespmem:s0+$0x30] =	vst v0  }
0x59: {  	[tilespmem:s1+$0x30] =	vst v0  }
0x5a: {  	s10 =	sadd.s32 $0x80, s10;
	[tilespmem:s20+$0x30] =	vst v0;
	s20 =	sadd.s32 $0x80, s20  }
0x5b: {  	[tilespmem:s9+$0x30] =	vst v0;
	s1 =	simm.s32 $0x0;
	s0 =	rddreg [dreg:$0x4];
	s19 =	simm.s32 $0x18000  }
0x5c: {  	[tilespmem:s19], [sflag:$0x1] =	stream.linear.gather [hbm4b:s0+s1], $0x1000, $0x38;
	[tilespmem:$0x1B000] =	vst v63  }
0x5d: {  	s20 =	simm.s32 $0x1A000;
	s0 =	simm.s32 $0x0  }
0x5e: {  	[tilespmem:s20], [sflag:$0x3] =	stream.linear.gather [hbm4b:s11+s1], $0x800, $0x38;
	[tilespmem:$0x1B000] =	vst v63  }
.LBB2_4:
0x5f: {  	s9 =	sshllo.u32 s0, $0x1  }
0x60: {  	s10 =	sshll.u32 s9, $0xC  }
0x61: {  	s9 =	sshll.u32 s9, $0xB;
	s10 =	sadd.s32 s7, s10  }
0x62: {  	s9 =	sadd.s32 s6, s9;
	s10 =	sshrl.u32 s10, $0x3  }
0x63: {  	s9 =	sshrl.u32 s9, $0x3;
	s10 =	sadd.s32 s3, s10  }
0x64: {  	[tilespmem:s21], [sflag:$0x2] =	stream.linear.gather [hbm4b:s10+s1], $0x1000, $0x38;
	[tilespmem:$0x1B000] =	vst v63  }
0x65: {  	s9 =	sadd.s32 s4, s9  }
0x66: {  	[tilespmem:s22], [sflag:$0x4] =	stream.linear.gather [hbm4b:s9+s1], $0x800, $0x38;
	[tilespmem:$0x1B000] =	vst v63  }
0x67: {  	_ =	swait.ge [sflag:s5], $0x1000  }
0x68: {  	[sflag:s5] =	ssyncset.done $0x0  }
0x69: {  	[sflag:s5] =	ssyncadd.s32 $0xFFFFF000  }
0x6a: {  	_ =	swait.ge [sflag:s23], $0x800  }
0x6b: {  	[sflag:s23] =	ssyncset.done $0x0  }
0x6c: {  	s19 =	simm.s32 $0x18080;
	[sflag:s23] =	ssyncadd.s32 $0xFFFFF800  }
0x6d: {  	v9 =	vld [tilespmem:s19+$0x70]  }
0x6e: {  	v1 =	vld [tilespmem:s19+$0x20]  }
0x6f: {  	s20 =	simm.s32 $0x0;
	v3 =	vld [tilespmem:s19+$0x10]  }
0x70: {  	v21 =	vld [tilespmem:s20+$0x1A070]  }
0x71: {  	v2 =	vld [tilespmem:s20+$0x1A020]  }
0x72: {  	v8 =	vld [tilespmem:s19+$0x50]  }
0x73: {  	v19 =	vld [tilespmem:s20+$0x1A000]  }
0x74: {  	v20 =	vld [tilespmem:s19+$0x0]  }
0x75: {  	v6 =	vld [tilespmem:s20+$0x1A030]  }
0x76: {  	v12 =	vld [tilespmem:s20+$0x1A050]  }
0x77: {  	v22 =	vld [tilespmem:s19+$0xFFFFFFD0]  }
0x78: {  	v23 =	vld [tilespmem:s19+$0xFFFFFF80]  }
0x79: {  	v5 =	vld [tilespmem:s19+$0x30]  }
0x7a: {  	v4 =	vld [tilespmem:s19+$0x40]  }
0x7b: {  	v10 =	vld [tilespmem:s20+$0x1A010]  }
0x7c: {  	v7 =	vld [tilespmem:s20+$0x1A040]  }
0x7d: {  	v24 =	vld [tilespmem:s19+$0xFFFFFFF0]  }
0x7e: {  	v25 =	vld [tilespmem:s19+$0xFFFFFFE0]  }
0x7f: {  	v11 =	vld [tilespmem:s20+$0x1A060]  }
0x80: {  	v14 =	vld [tilespmem:s19+$0xFFFFFFC0]  }
0x81: {  	v16 =	vld [tilespmem:s19+$0xFFFFFFB0]  }
0x82: {  	v17 =	vld [tilespmem:s19+$0xFFFFFF90]  }
0x83: {  	v13 =	vld [tilespmem:s19+$0x60]  }
0x84: {  	v18 =	vld.idx.msk [tilespmem:v23+s2+$0x0], $0xffff  }
0x85: {  	v26 =	vld.idx.msk [tilespmem:v24+s2+$0x0], $0xffff  }
0x86: {  	v28 =	vld.idx.msk [tilespmem:v25+s2+$0x0], $0xffff  }
0x87: {  	v15 =	vld [tilespmem:s19+$0xFFFFFFA0]  }
0x88: {  	v29 =	vld.idx.msk [tilespmem:v22+s2+$0x0], $0xffff  }
0x89: {  	v30 =	vld.idx.msk [tilespmem:v14+s2+$0x0], $0xffff;
	v27 =	vand.u32 $0xFFFF0000, v18  }
0x8a: {  	v52 =	vld.idx.msk [tilespmem:v16+s2+$0x0], $0xffff;
	v31 =	vand.u32 $0xFFFF0000, v26;
	v27 =	vmul.f32 v27, v19  }
0x8b: {  	v59 =	vld.idx.msk [tilespmem:v17+s2+$0x0], $0xffff;
	v32 =	vand.u32 $0xFFFF0000, v28;
	v31 =	vmul.f32 v31, v21  }
0x8c: {  	v18 =	vshll.u32 v18, $0x10;
	v32 =	vmul.f32 v32, v11;
	[tilespmem:v20+s24+$0x0] =	vst.idx.add.f32.msk $0xffff, v27  }
0x8d: {  	v18 =	vmul.f32 v18, v19;
	[tilespmem:v9+s24+$0x0] =	vst.idx.add.f32.msk $0xffff, v31  }
0x8e: {  	v26 =	vshll.u32 v26, $0x10;
	[tilespmem:v13+s24+$0x0] =	vst.idx.add.f32.msk $0xffff, v32  }
0x8f: {  	v26 =	vmul.f32 v26, v21;
	[tilespmem:v20+s25+$0x0] =	vst.idx.add.f32.msk $0xffff, v18  }
0x90: {  	v53 =	vand.u32 $0xFFFF0000, v29;
	v18 =	vld.idx.msk [tilespmem:v15+s2+$0x0], $0xffff  }
0x91: {  	v29 =	vshll.u32 v29, $0x10;
	v31 =	vmul.f32 v53, v12;
	[tilespmem:v9+s25+$0x0] =	vst.idx.add.f32.msk $0xffff, v26  }
0x92: {  	v54 =	vmul.f32 v29, v12;
	v23 =	vld.idx.msk [tilespmem:v23+s18+$0x0], $0xffff  }
0x93: {  	[tilespmem:v8+s24+$0x0] =	vst.idx.add.f32.msk $0xffff, v31  }
0x94: {  	v56 =	vand.u32 $0xFFFF0000, v30;
	[tilespmem:v8+s25+$0x0] =	vst.idx.add.f32.msk $0xffff, v54  }
0x95: {  	v28 =	vshll.u32 v28, $0x10;
	v57 =	vld.idx.msk [tilespmem:v22+s18+$0x0], $0xffff;
	v22 =	vmul.f32 v56, v7  }
0x96: {  	v58 =	vshll.u32 v30, $0x10;
	v55 =	vmul.f32 v28, v11;
	v24 =	vld.idx.msk [tilespmem:v24+s18+$0x0], $0xffff  }
0x97: {  	v28 =	vmul.f32 v58, v7;
	[tilespmem:v4+s24+$0x0] =	vst.idx.add.f32.msk $0xffff, v22;
	v22 =	vand.u32 $0xFFFF0000, v52  }
0x98: {  	[tilespmem:v13+s25+$0x0] =	vst.idx.add.f32.msk $0xffff, v55;
	v60 =	vand.u32 $0xFFFF0000, v23;
	v22 =	vmul.f32 v22, v6  }
0x99: {  	v23 =	vshll.u32 v23, $0x10;
	[tilespmem:v4+s25+$0x0] =	vst.idx.add.f32.msk $0xffff, v28;
	v61 =	vmul.f32 v60, v19  }
0x9a: {  	v19 =	vmul.f32 v23, v19;
	[tilespmem:v5+s24+$0x0] =	vst.idx.add.f32.msk $0xffff, v22  }
0x9b: {  	v23 =	vand.u32 $0xFFFF0000, v24;
	[tilespmem:v20+s26+$0x0] =	vst.idx.add.f32.msk $0xffff, v61  }
0x9c: {  	v22 =	vmul.f32 v23, v21;
	[tilespmem:v20+s28+$0x0] =	vst.idx.add.f32.msk $0xffff, v19;
	v19 =	vand.u32 $0xFFFF0000, v59  }
0x9d: {  	v23 =	vshll.u32 v59, $0x10;
	v20 =	vld.idx.msk [tilespmem:v25+s18+$0x0], $0xffff;
	v62 =	vmul.f32 v19, v10  }
0x9e: {  	v63 =	vmul.f32 v23, v10;
	[tilespmem:v9+s26+$0x0] =	vst.idx.add.f32.msk $0xffff, v22;
	v22 =	vshll.u32 v24, $0x10  }
0x9f: {  	v19 =	vshll.u32 v52, $0x10;
	v23 =	vmul.f32 v22, v21;
	[tilespmem:v3+s24+$0x0] =	vst.idx.add.f32.msk $0xffff, v62  }
0xa0: {  	s9 =	simm.s32 $0x200;
	s20 =	sshll.u32 s0, $0x1;
	v22 =	vand.u32 $0xFFFF0000, v57;
	v21 =	vshll.u32 v57, $0x10;
	v19 =	vmul.f32 v19, v6;
	[tilespmem:v3+s25+$0x0] =	vst.idx.add.f32.msk $0xffff, v63  }
.LBB2_5:
0xa1: {  	p0 =	sne.s32 s9, $0x1E00  }
0xa2: {  	v17 =	vld.idx.msk [tilespmem:v17+s18+$0x0], $0xffff;
	v24 =	vand.u32 $0xFFFF0000, v18;
	s19 =	sadd.s32 $0x100, s19;
	s10 =	smov.u32 s9;
	s9 =	sadd.s32 $0x200, s9  }
0xa3: {  	v18 =	vshll.u32 v18, $0x10;
	v24 =	vmul.f32 v24, v2;
	[tilespmem:v9+s28+$0x0] =	vst.idx.add.f32.msk $0xffff, v23  }
0xa4: {  	v9 =	vmul.f32 v18, v2;
	[tilespmem:v5+s25+$0x0] =	vst.idx.add.f32.msk $0xffff, v19  }
0xa5: {  	v18 =	vmul.f32 v22, v12;
	[tilespmem:v1+s24+$0x0] =	vst.idx.add.f32.msk $0xffff, v24  }
0xa6: {  	v12 =	vmul.f32 v21, v12;
	v16 =	vld.idx.msk [tilespmem:v16+s18+$0x0], $0xffff  }
0xa7: {  	[tilespmem:v1+s25+$0x0] =	vst.idx.add.f32.msk $0xffff, v9  }
0xa8: {  	v9 =	vand.u32 $0xFFFF0000, v17;
	v17 =	vshll.u32 v17, $0x10;
	[tilespmem:v8+s26+$0x0] =	vst.idx.add.f32.msk $0xffff, v18  }
0xa9: {  	v9 =	vmul.f32 v9, v10;
	v10 =	vmul.f32 v17, v10;
	v17 =	vand.u32 $0xFFFF0000, v20;
	v15 =	vld.idx.msk [tilespmem:v15+s18+$0x0], $0xffff  }
0xaa: {  	v18 =	vshll.u32 v20, $0x10;
	v17 =	vmul.f32 v17, v11;
	v14 =	vld.idx.msk [tilespmem:v14+s18+$0x0], $0xffff  }
0xab: {  	[tilespmem:v8+s28+$0x0] =	vst.idx.add.f32.msk $0xffff, v12;
	v8 =	vmul.f32 v18, v11  }
0xac: {  	v11 =	vand.u32 $0xFFFF0000, v16;
	v12 =	vshll.u32 v16, $0x10;
	[tilespmem:v13+s26+$0x0] =	vst.idx.add.f32.msk $0xffff, v17  }
0xad: {  	[tilespmem:v13+s28+$0x0] =	vst.idx.add.f32.msk $0xffff, v8  }
0xae: {  	v8 =	vmul.f32 v11, v6;
	[tilespmem:v3+s26+$0x0] =	vst.idx.add.f32.msk $0xffff, v9  }
0xaf: {  	v6 =	vmul.f32 v12, v6;
	v11 =	vand.u32 $0xFFFF0000, v15;
	v13 =	vshll.u32 v15, $0x10;
	v9 =	vld [tilespmem:s19+$0x70]  }
0xb0: {  	v11 =	vmul.f32 v11, v2;
	v12 =	vshll.u32 v14, $0x10;
	[tilespmem:v5+s26+$0x0] =	vst.idx.add.f32.msk $0xffff, v8;
	v8 =	vand.u32 $0xFFFF0000, v14  }
0xb1: {  	v2 =	vmul.f32 v13, v2;
	[tilespmem:v3+s28+$0x0] =	vst.idx.add.f32.msk $0xffff, v10;
	v3 =	vmul.f32 v8, v7  }
0xb2: {  	v7 =	vmul.f32 v12, v7;
	[tilespmem:v1+s26+$0x0] =	vst.idx.add.f32.msk $0xffff, v11  }
0xb3: {  	[tilespmem:v4+s26+$0x0] =	vst.idx.add.f32.msk $0xffff, v3  }
0xb4: {  	[tilespmem:v5+s28+$0x0] =	vst.idx.add.f32.msk $0xffff, v6  }
0xb5: {  	[tilespmem:v4+s28+$0x0] =	vst.idx.add.f32.msk $0xffff, v7  }
0xb6: {  	[tilespmem:v1+s28+$0x0] =	vst.idx.add.f32.msk $0xffff, v2  }
0xb7: {  	v1 =	vld [tilespmem:s19+$0x20]  }
0xb8: {  	s10 =	sshra.s32 s10, $0x2;
	v3 =	vld [tilespmem:s19+$0x10]  }
0xb9: {  	v20 =	vld [tilespmem:s10+$0x1A070]  }
0xba: {  	v2 =	vld [tilespmem:s10+$0x1A020]  }
0xbb: {  	v8 =	vld [tilespmem:s19+$0x50]  }
0xbc: {  	v21 =	vld [tilespmem:s10+$0x1A000]  }
0xbd: {  	v22 =	vld [tilespmem:s19+$0x0]  }
0xbe: {  	v6 =	vld [tilespmem:s10+$0x1A030]  }
0xbf: {  	v12 =	vld [tilespmem:s10+$0x1A050]  }
0xc0: {  	v23 =	vld [tilespmem:s19+$0xFFFFFFD0]  }
0xc1: {  	v19 =	vld [tilespmem:s19+$0xFFFFFF80]  }
0xc2: {  	v5 =	vld [tilespmem:s19+$0x30]  }
0xc3: {  	v4 =	vld [tilespmem:s19+$0x40]  }
0xc4: {  	v10 =	vld [tilespmem:s10+$0x1A010]  }
0xc5: {  	v7 =	vld [tilespmem:s10+$0x1A040]  }
0xc6: {  	v11 =	vld [tilespmem:s10+$0x1A060]  }
0xc7: {  	v24 =	vld [tilespmem:s19+$0xFFFFFFF0]  }
0xc8: {  	v25 =	vld [tilespmem:s19+$0xFFFFFFE0]  }
0xc9: {  	v18 =	vld.idx.msk [tilespmem:v19+s2+$0x0], $0xffff  }
0xca: {  	v14 =	vld [tilespmem:s19+$0xFFFFFFC0]  }
0xcb: {  	v16 =	vld [tilespmem:s19+$0xFFFFFFB0]  }
0xcc: {  	v15 =	vld [tilespmem:s19+$0xFFFFFFA0]  }
0xcd: {  	v17 =	vld [tilespmem:s19+$0xFFFFFF90]  }
0xce: {  	v13 =	vld [tilespmem:s19+$0x60]  }
0xcf: {  	v26 =	vand.u32 $0xFFFF0000, v18;
	v18 =	vshll.u32 v18, $0x10;
	v27 =	vld.idx.msk [tilespmem:v24+s2+$0x0], $0xffff  }
0xd0: {  	v26 =	vmul.f32 v26, v21;
	v28 =	vld.idx.msk [tilespmem:v25+s2+$0x0], $0xffff  }
0xd1: {  	v29 =	vld.idx.msk [tilespmem:v23+s2+$0x0], $0xffff  }
0xd2: {  	v30 =	vld.idx.msk [tilespmem:v14+s2+$0x0], $0xffff  }
0xd3: {  	v18 =	vmul.f32 v18, v21;
	[tilespmem:v22+s24+$0x0] =	vst.idx.add.f32.msk $0xffff, v26  }
0xd4: {  	v26 =	vld.idx.msk [tilespmem:v16+s2+$0x0], $0xffff  }
0xd5: {  	v31 =	vand.u32 $0xFFFF0000, v27;
	v27 =	vshll.u32 v27, $0x10;
	[tilespmem:v22+s25+$0x0] =	vst.idx.add.f32.msk $0xffff, v18  }
0xd6: {  	v32 =	vand.u32 $0xFFFF0000, v28;
	v31 =	vmul.f32 v31, v20;
	v27 =	vmul.f32 v27, v20;
	v18 =	vld.idx.msk [tilespmem:v15+s2+$0x0], $0xffff  }
0xd7: {  	v32 =	vmul.f32 v32, v11;
	v33 =	vld.idx.msk [tilespmem:v19+s18+$0x0], $0xffff;
	v19 =	vand.u32 $0xFFFF0000, v29;
	v29 =	vshll.u32 v29, $0x10  }
0xd8: {  	v34 =	vmul.f32 v19, v12;
	v29 =	vmul.f32 v29, v12;
	v19 =	vshll.u32 v28, $0x10;
	[tilespmem:v9+s24+$0x0] =	vst.idx.add.f32.msk $0xffff, v31  }
0xd9: {  	[tilespmem:v13+s24+$0x0] =	vst.idx.add.f32.msk $0xffff, v32;
	v28 =	vmul.f32 v19, v11  }
0xda: {  	v31 =	vand.u32 $0xFFFF0000, v26;
	v19 =	vshll.u32 v26, $0x10;
	v26 =	vand.u32 $0xFFFF0000, v30;
	[tilespmem:v9+s25+$0x0] =	vst.idx.add.f32.msk $0xffff, v27  }
0xdb: {  	v19 =	vmul.f32 v19, v6;
	v26 =	vmul.f32 v26, v7;
	v24 =	vld.idx.msk [tilespmem:v24+s18+$0x0], $0xffff  }
0xdc: {  	v27 =	vshll.u32 v30, $0x10;
	[tilespmem:v8+s24+$0x0] =	vst.idx.add.f32.msk $0xffff, v34  }
0xdd: {  	v27 =	vmul.f32 v27, v7;
	v30 =	vand.u32 $0xFFFF0000, v33;
	v32 =	vshll.u32 v33, $0x10;
	[tilespmem:v8+s25+$0x0] =	vst.idx.add.f32.msk $0xffff, v29  }
0xde: {  	v29 =	vld.idx.msk [tilespmem:v23+s18+$0x0], $0xffff  }
0xdf: {  	v33 =	vld.idx.msk [tilespmem:v17+s2+$0x0], $0xffff  }
0xe0: {  	v32 =	vmul.f32 v32, v21;
	[tilespmem:v13+s25+$0x0] =	vst.idx.add.f32.msk $0xffff, v28  }
0xe1: {  	v21 =	vmul.f32 v30, v21;
	v23 =	vshll.u32 v24, $0x10;
	[tilespmem:v4+s24+$0x0] =	vst.idx.add.f32.msk $0xffff, v26;
	v26 =	vand.u32 $0xFFFF0000, v24  }
0xe2: {  	v24 =	vmul.f32 v31, v6;
	v23 =	vmul.f32 v23, v20;
	[tilespmem:v4+s25+$0x0] =	vst.idx.add.f32.msk $0xffff, v27  }
0xe3: {  	[tilespmem:v22+s26+$0x0] =	vst.idx.add.f32.msk $0xffff, v21  }
0xe4: {  	v21 =	vshll.u32 v29, $0x10;
	[tilespmem:v22+s28+$0x0] =	vst.idx.add.f32.msk $0xffff, v32;
	v22 =	vand.u32 $0xFFFF0000, v29  }
.Ltmp1:
0xe5: {  	v27 =	vand.u32 $0xFFFF0000, v33;
	v28 =	vshll.u32 v33, $0x10;
	[tilespmem:v5+s24+$0x0] =	vst.idx.add.f32.msk $0xffff, v24;
	v24 =	vmul.f32 v26, v20;
	(pc) =	sbr.rel @p0 .LBB2_5-.Ltmp1, $4  }
0xe6: {  	v26 =	vmul.f32 v27, v10;
	v27 =	vmul.f32 v28, v10;
	v20 =	vld.idx.msk [tilespmem:v25+s18+$0x0], $0xffff  }
0xe7: {  	[tilespmem:v9+s26+$0x0] =	vst.idx.add.f32.msk $0xffff, v24  }
0xe8: {  	[tilespmem:v3+s24+$0x0] =	vst.idx.add.f32.msk $0xffff, v26  }
0xe9: {  	[tilespmem:v3+s25+$0x0] =	vst.idx.add.f32.msk $0xffff, v27  }
0xea: {  	_ =	sdelay $0x3  }
0xeb: {  	v17 =	vld.idx.msk [tilespmem:v17+s18+$0x0], $0xffff  }
0xec: {  	[tilespmem:v9+s28+$0x0] =	vst.idx.add.f32.msk $0xffff, v23  }
0xed: {  	v24 =	vand.u32 $0xFFFF0000, v18;
	[tilespmem:v5+s25+$0x0] =	vst.idx.add.f32.msk $0xffff, v19  }
0xee: {  	v9 =	vshll.u32 v18, $0x10;
	v14 =	vld.idx.msk [tilespmem:v14+s18+$0x0], $0xffff;
	v24 =	vmul.f32 v24, v2  }
0xef: {  	v9 =	vmul.f32 v9, v2;
	v16 =	vld.idx.msk [tilespmem:v16+s18+$0x0], $0xffff  }
0xf0: {  	[tilespmem:v1+s24+$0x0] =	vst.idx.add.f32.msk $0xffff, v24  }
0xf1: {  	v18 =	vmul.f32 v22, v12;
	[tilespmem:v1+s25+$0x0] =	vst.idx.add.f32.msk $0xffff, v9  }
0xf2: {  	v9 =	vmul.f32 v21, v12;
	v12 =	vld.idx.msk [tilespmem:v15+s18+$0x0], $0xffff;
	v15 =	vand.u32 $0xFFFF0000, v20  }
0xf3: {  	[tilespmem:v8+s26+$0x0] =	vst.idx.add.f32.msk $0xffff, v18;
	v18 =	vshll.u32 v20, $0x10;
	v15 =	vmul.f32 v15, v11  }
0xf4: {  	v19 =	vand.u32 $0xFFFF0000, v17;
	[tilespmem:v8+s28+$0x0] =	vst.idx.add.f32.msk $0xffff, v9;
	v8 =	vmul.f32 v18, v11  }
0xf5: {  	v9 =	vmul.f32 v19, v10;
	v11 =	vand.u32 $0xFFFF0000, v16;
	[tilespmem:v13+s26+$0x0] =	vst.idx.add.f32.msk $0xffff, v15  }
0xf6: {  	v15 =	vshll.u32 v17, $0x10;
	[tilespmem:v13+s28+$0x0] =	vst.idx.add.f32.msk $0xffff, v8;
	v8 =	vmul.f32 v11, v6  }
0xf7: {  	[tilespmem:v3+s26+$0x0] =	vst.idx.add.f32.msk $0xffff, v9;
	v10 =	vmul.f32 v15, v10;
	v11 =	vshll.u32 v16, $0x10  }
0xf8: {  	v9 =	vand.u32 $0xFFFF0000, v12;
	v6 =	vmul.f32 v11, v6;
	[tilespmem:v5+s26+$0x0] =	vst.idx.add.f32.msk $0xffff, v8  }
0xf9: {  	p0 =	seq.s32 s0, $0x28;
	v9 =	vmul.f32 v9, v2;
	v8 =	vand.u32 $0xFFFF0000, v14;
	[tilespmem:v3+s28+$0x0] =	vst.idx.add.f32.msk $0xffff, v10  }
0xfa: {  	s9 =	sadd.s32 @!p0 $0x2, s20;
	v3 =	vmul.f32 v8, v7;
	v8 =	vshll.u32 v14, $0x10;
	[tilespmem:v5+s28+$0x0] =	vst.idx.add.f32.msk $0xffff, v6  }
0xfb: {  	s10 =	sshll.u32 @!p0 s9, $0xC;
	[tilespmem:v1+s26+$0x0] =	vst.idx.add.f32.msk $0xffff, v9;
	v9 =	vshll.u32 v12, $0x10;
	v7 =	vmul.f32 v8, v7  }
0xfc: {  	s9 =	sshll.u32 @!p0 s9, $0xB;
	s10 =	sadd.s32 @!p0 s7, s10;
	[tilespmem:v4+s26+$0x0] =	vst.idx.add.f32.msk $0xffff, v3;
	v2 =	vmul.f32 v9, v2  }
0xfd: {  	s19 =	simm.s32 @!p0 $0x0;
	s9 =	sadd.s32 @!p0 s6, s9;
	s10 =	sshrl.u32 @!p0 s10, $0x3;
	[tilespmem:v4+s28+$0x0] =	vst.idx.add.f32.msk $0xffff, v7  }
0xfe: {  	s20 =	simm.s32 @!p0 $0x18000;
	s9 =	sshrl.u32 @!p0 s9, $0x3;
	s10 =	sadd.s32 @!p0 s3, s10;
	[tilespmem:v1+s28+$0x0] =	vst.idx.add.f32.msk $0xffff, v2  }
0xff: {  	[tilespmem:s20], [sflag:$0x1] =	stream.linear.gather @!p0 [hbm4b:s10+s19], $0x1000, $0x38;
	[tilespmem:$0x1B000] =	vst v63  }
0x100: {  	s9 =	sadd.s32 @!p0 s4, s9;
	s10 =	simm.s32 @!p0 $0x1A000  }
0x101: {  	[tilespmem:s10], [sflag:$0x3] =	stream.linear.gather @!p0 [hbm4b:s9+s19], $0x800, $0x38;
	[tilespmem:$0x1B000] =	vst v63  }
0x102: {  	_ =	swait.ge [sflag:s29], $0x1000  }
0x103: {  	[sflag:s29] =	ssyncset.done $0x0  }
0x104: {  	[sflag:s29] =	ssyncadd.s32 $0xFFFFF000  }
0x105: {  	_ =	swait.ge [sflag:s30], $0x800  }
0x106: {  	[sflag:s30] =	ssyncset.done $0x0  }
0x107: {  	s19 =	simm.s32 $0x19080;
	[sflag:s30] =	ssyncadd.s32 $0xFFFFF800  }
0x108: {  	v9 =	vld [tilespmem:s19+$0x70]  }
0x109: {  	v1 =	vld [tilespmem:s19+$0x20]  }
0x10a: {  	s20 =	simm.s32 $0x0;
	v3 =	vld [tilespmem:s19+$0x10]  }
0x10b: {  	v21 =	vld [tilespmem:s20+$0x1A870]  }
0x10c: {  	v2 =	vld [tilespmem:s20+$0x1A820]  }
0x10d: {  	v8 =	vld [tilespmem:s19+$0x50]  }
0x10e: {  	v19 =	vld [tilespmem:s20+$0x1A800]  }
0x10f: {  	v20 =	vld [tilespmem:s19+$0x0]  }
0x110: {  	v6 =	vld [tilespmem:s20+$0x1A830]  }
0x111: {  	v12 =	vld [tilespmem:s20+$0x1A850]  }
0x112: {  	v22 =	vld [tilespmem:s19+$0xFFFFFFD0]  }
0x113: {  	v23 =	vld [tilespmem:s19+$0xFFFFFF80]  }
0x114: {  	v5 =	vld [tilespmem:s19+$0x30]  }
0x115: {  	v4 =	vld [tilespmem:s19+$0x40]  }
0x116: {  	v10 =	vld [tilespmem:s20+$0x1A810]  }
0x117: {  	v7 =	vld [tilespmem:s20+$0x1A840]  }
0x118: {  	v51 =	vld [tilespmem:s19+$0xFFFFFFF0]  }
0x119: {  	v25 =	vld [tilespmem:s19+$0xFFFFFFE0]  }
0x11a: {  	v11 =	vld [tilespmem:s20+$0x1A860]  }
0x11b: {  	v14 =	vld [tilespmem:s19+$0xFFFFFFC0]  }
0x11c: {  	v16 =	vld [tilespmem:s19+$0xFFFFFFB0]  }
0x11d: {  	v17 =	vld [tilespmem:s19+$0xFFFFFF90]  }
0x11e: {  	v13 =	vld [tilespmem:s19+$0x60]  }
0x11f: {  	v18 =	vld.idx.msk [tilespmem:v23+s2+$0x0], $0xffff  }
0x120: {  	v26 =	vld.idx.msk [tilespmem:v51+s2+$0x0], $0xffff  }
0x121: {  	v28 =	vld.idx.msk [tilespmem:v25+s2+$0x0], $0xffff  }
0x122: {  	v15 =	vld [tilespmem:s19+$0xFFFFFFA0]  }
0x123: {  	v29 =	vld.idx.msk [tilespmem:v22+s2+$0x0], $0xffff  }
0x124: {  	v30 =	vld.idx.msk [tilespmem:v14+s2+$0x0], $0xffff;
	v27 =	vand.u32 $0xFFFF0000, v18  }
0x125: {  	v52 =	vld.idx.msk [tilespmem:v16+s2+$0x0], $0xffff;
	v31 =	vand.u32 $0xFFFF0000, v26;
	v27 =	vmul.f32 v27, v19  }
0x126: {  	v59 =	vld.idx.msk [tilespmem:v17+s2+$0x0], $0xffff;
	v32 =	vand.u32 $0xFFFF0000, v28;
	v31 =	vmul.f32 v31, v21  }
0x127: {  	v18 =	vshll.u32 v18, $0x10;
	v32 =	vmul.f32 v32, v11;
	[tilespmem:v20+s24+$0x0] =	vst.idx.add.f32.msk $0xffff, v27  }
0x128: {  	v18 =	vmul.f32 v18, v19;
	[tilespmem:v9+s24+$0x0] =	vst.idx.add.f32.msk $0xffff, v31  }
0x129: {  	v26 =	vshll.u32 v26, $0x10;
	[tilespmem:v13+s24+$0x0] =	vst.idx.add.f32.msk $0xffff, v32  }
0x12a: {  	v26 =	vmul.f32 v26, v21;
	[tilespmem:v20+s25+$0x0] =	vst.idx.add.f32.msk $0xffff, v18  }
0x12b: {  	v53 =	vand.u32 $0xFFFF0000, v29;
	v18 =	vld.idx.msk [tilespmem:v15+s2+$0x0], $0xffff  }
0x12c: {  	v29 =	vshll.u32 v29, $0x10;
	v31 =	vmul.f32 v53, v12;
	[tilespmem:v9+s25+$0x0] =	vst.idx.add.f32.msk $0xffff, v26  }
0x12d: {  	v54 =	vmul.f32 v29, v12;
	v23 =	vld.idx.msk [tilespmem:v23+s18+$0x0], $0xffff  }
0x12e: {  	[tilespmem:v8+s24+$0x0] =	vst.idx.add.f32.msk $0xffff, v31  }
0x12f: {  	v56 =	vand.u32 $0xFFFF0000, v30;
	[tilespmem:v8+s25+$0x0] =	vst.idx.add.f32.msk $0xffff, v54  }
0x130: {  	v28 =	vshll.u32 v28, $0x10;
	v57 =	vld.idx.msk [tilespmem:v22+s18+$0x0], $0xffff;
	v22 =	vmul.f32 v56, v7  }
0x131: {  	v58 =	vshll.u32 v30, $0x10;
	v55 =	vmul.f32 v28, v11;
	v24 =	vld.idx.msk [tilespmem:v51+s18+$0x0], $0xffff  }
0x132: {  	v28 =	vmul.f32 v58, v7;
	[tilespmem:v4+s24+$0x0] =	vst.idx.add.f32.msk $0xffff, v22;
	v22 =	vand.u32 $0xFFFF0000, v52  }
0x133: {  	[tilespmem:v13+s25+$0x0] =	vst.idx.add.f32.msk $0xffff, v55;
	v60 =	vand.u32 $0xFFFF0000, v23;
	v22 =	vmul.f32 v22, v6  }
0x134: {  	v23 =	vshll.u32 v23, $0x10;
	[tilespmem:v4+s25+$0x0] =	vst.idx.add.f32.msk $0xffff, v28;
	v61 =	vmul.f32 v60, v19  }
0x135: {  	v19 =	vmul.f32 v23, v19;
	[tilespmem:v5+s24+$0x0] =	vst.idx.add.f32.msk $0xffff, v22  }
0x136: {  	v23 =	vand.u32 $0xFFFF0000, v24;
	[tilespmem:v20+s26+$0x0] =	vst.idx.add.f32.msk $0xffff, v61  }
0x137: {  	v22 =	vmul.f32 v23, v21;
	[tilespmem:v20+s28+$0x0] =	vst.idx.add.f32.msk $0xffff, v19;
	v19 =	vand.u32 $0xFFFF0000, v59  }
0x138: {  	v23 =	vshll.u32 v59, $0x10;
	v20 =	vld.idx.msk [tilespmem:v25+s18+$0x0], $0xffff;
	v62 =	vmul.f32 v19, v10  }
0x139: {  	v63 =	vmul.f32 v23, v10;
	[tilespmem:v9+s26+$0x0] =	vst.idx.add.f32.msk $0xffff, v22;
	v22 =	vshll.u32 v24, $0x10  }
0x13a: {  	v19 =	vshll.u32 v52, $0x10;
	v23 =	vmul.f32 v22, v21;
	[tilespmem:v3+s24+$0x0] =	vst.idx.add.f32.msk $0xffff, v62  }
0x13b: {  	s9 =	simm.s32 $0x200;
	v22 =	vand.u32 $0xFFFF0000, v57;
	v21 =	vshll.u32 v57, $0x10;
	v19 =	vmul.f32 v19, v6;
	[tilespmem:v3+s25+$0x0] =	vst.idx.add.f32.msk $0xffff, v63  }
.LBB2_7:
0x13c: {  	p0 =	sne.s32 s9, $0x1E00  }
0x13d: {  	v17 =	vld.idx.msk [tilespmem:v17+s18+$0x0], $0xffff;
	v24 =	vand.u32 $0xFFFF0000, v18;
	s19 =	sadd.s32 $0x100, s19;
	s10 =	smov.u32 s9;
	s9 =	sadd.s32 $0x200, s9  }
0x13e: {  	v18 =	vshll.u32 v18, $0x10;
	v24 =	vmul.f32 v24, v2;
	[tilespmem:v9+s28+$0x0] =	vst.idx.add.f32.msk $0xffff, v23  }
0x13f: {  	v9 =	vmul.f32 v18, v2;
	[tilespmem:v5+s25+$0x0] =	vst.idx.add.f32.msk $0xffff, v19  }
0x140: {  	v18 =	vmul.f32 v22, v12;
	[tilespmem:v1+s24+$0x0] =	vst.idx.add.f32.msk $0xffff, v24  }
0x141: {  	v12 =	vmul.f32 v21, v12;
	v16 =	vld.idx.msk [tilespmem:v16+s18+$0x0], $0xffff  }
0x142: {  	[tilespmem:v1+s25+$0x0] =	vst.idx.add.f32.msk $0xffff, v9  }
0x143: {  	v9 =	vand.u32 $0xFFFF0000, v17;
	v17 =	vshll.u32 v17, $0x10;
	[tilespmem:v8+s26+$0x0] =	vst.idx.add.f32.msk $0xffff, v18  }
0x144: {  	v9 =	vmul.f32 v9, v10;
	v10 =	vmul.f32 v17, v10;
	v17 =	vand.u32 $0xFFFF0000, v20;
	v15 =	vld.idx.msk [tilespmem:v15+s18+$0x0], $0xffff  }
0x145: {  	v18 =	vshll.u32 v20, $0x10;
	v17 =	vmul.f32 v17, v11;
	v14 =	vld.idx.msk [tilespmem:v14+s18+$0x0], $0xffff  }
0x146: {  	[tilespmem:v8+s28+$0x0] =	vst.idx.add.f32.msk $0xffff, v12;
	v8 =	vmul.f32 v18, v11  }
0x147: {  	v11 =	vand.u32 $0xFFFF0000, v16;
	v12 =	vshll.u32 v16, $0x10;
	[tilespmem:v13+s26+$0x0] =	vst.idx.add.f32.msk $0xffff, v17  }
0x148: {  	[tilespmem:v13+s28+$0x0] =	vst.idx.add.f32.msk $0xffff, v8  }
0x149: {  	v8 =	vmul.f32 v11, v6;
	[tilespmem:v3+s26+$0x0] =	vst.idx.add.f32.msk $0xffff, v9  }
0x14a: {  	v6 =	vmul.f32 v12, v6;
	v11 =	vand.u32 $0xFFFF0000, v15;
	v13 =	vshll.u32 v15, $0x10;
	v9 =	vld [tilespmem:s19+$0x70]  }
0x14b: {  	v11 =	vmul.f32 v11, v2;
	v12 =	vshll.u32 v14, $0x10;
	[tilespmem:v5+s26+$0x0] =	vst.idx.add.f32.msk $0xffff, v8;
	v8 =	vand.u32 $0xFFFF0000, v14  }
0x14c: {  	v2 =	vmul.f32 v13, v2;
	[tilespmem:v3+s28+$0x0] =	vst.idx.add.f32.msk $0xffff, v10;
	v3 =	vmul.f32 v8, v7  }
0x14d: {  	v7 =	vmul.f32 v12, v7;
	[tilespmem:v1+s26+$0x0] =	vst.idx.add.f32.msk $0xffff, v11  }
0x14e: {  	[tilespmem:v4+s26+$0x0] =	vst.idx.add.f32.msk $0xffff, v3  }
0x14f: {  	[tilespmem:v5+s28+$0x0] =	vst.idx.add.f32.msk $0xffff, v6  }
0x150: {  	[tilespmem:v4+s28+$0x0] =	vst.idx.add.f32.msk $0xffff, v7  }
0x151: {  	[tilespmem:v1+s28+$0x0] =	vst.idx.add.f32.msk $0xffff, v2  }
0x152: {  	v1 =	vld [tilespmem:s19+$0x20]  }
0x153: {  	s10 =	sshra.s32 s10, $0x2;
	v3 =	vld [tilespmem:s19+$0x10]  }
0x154: {  	v20 =	vld [tilespmem:s10+$0x1A870]  }
0x155: {  	v2 =	vld [tilespmem:s10+$0x1A820]  }
0x156: {  	v8 =	vld [tilespmem:s19+$0x50]  }
0x157: {  	v21 =	vld [tilespmem:s10+$0x1A800]  }
0x158: {  	v22 =	vld [tilespmem:s19+$0x0]  }
0x159: {  	v6 =	vld [tilespmem:s10+$0x1A830]  }
0x15a: {  	v12 =	vld [tilespmem:s10+$0x1A850]  }
0x15b: {  	v23 =	vld [tilespmem:s19+$0xFFFFFFD0]  }
0x15c: {  	v19 =	vld [tilespmem:s19+$0xFFFFFF80]  }
0x15d: {  	v5 =	vld [tilespmem:s19+$0x30]  }
0x15e: {  	v4 =	vld [tilespmem:s19+$0x40]  }
0x15f: {  	v10 =	vld [tilespmem:s10+$0x1A810]  }
0x160: {  	v7 =	vld [tilespmem:s10+$0x1A840]  }
0x161: {  	v11 =	vld [tilespmem:s10+$0x1A860]  }
0x162: {  	v24 =	vld [tilespmem:s19+$0xFFFFFFF0]  }
0x163: {  	v25 =	vld [tilespmem:s19+$0xFFFFFFE0]  }
0x164: {  	v18 =	vld.idx.msk [tilespmem:v19+s2+$0x0], $0xffff  }
0x165: {  	v14 =	vld [tilespmem:s19+$0xFFFFFFC0]  }
0x166: {  	v16 =	vld [tilespmem:s19+$0xFFFFFFB0]  }
0x167: {  	v15 =	vld [tilespmem:s19+$0xFFFFFFA0]  }
0x168: {  	v17 =	vld [tilespmem:s19+$0xFFFFFF90]  }
0x169: {  	v13 =	vld [tilespmem:s19+$0x60]  }
0x16a: {  	v26 =	vand.u32 $0xFFFF0000, v18;
	v18 =	vshll.u32 v18, $0x10;
	v27 =	vld.idx.msk [tilespmem:v24+s2+$0x0], $0xffff  }
0x16b: {  	v26 =	vmul.f32 v26, v21;
	v28 =	vld.idx.msk [tilespmem:v25+s2+$0x0], $0xffff  }
0x16c: {  	v29 =	vld.idx.msk [tilespmem:v23+s2+$0x0], $0xffff  }
0x16d: {  	v30 =	vld.idx.msk [tilespmem:v14+s2+$0x0], $0xffff  }
0x16e: {  	v18 =	vmul.f32 v18, v21;
	[tilespmem:v22+s24+$0x0] =	vst.idx.add.f32.msk $0xffff, v26  }
0x16f: {  	v26 =	vld.idx.msk [tilespmem:v16+s2+$0x0], $0xffff  }
0x170: {  	v31 =	vand.u32 $0xFFFF0000, v27;
	v27 =	vshll.u32 v27, $0x10;
	[tilespmem:v22+s25+$0x0] =	vst.idx.add.f32.msk $0xffff, v18  }
0x171: {  	v32 =	vand.u32 $0xFFFF0000, v28;
	v31 =	vmul.f32 v31, v20;
	v27 =	vmul.f32 v27, v20;
	v18 =	vld.idx.msk [tilespmem:v15+s2+$0x0], $0xffff  }
0x172: {  	v32 =	vmul.f32 v32, v11;
	v33 =	vld.idx.msk [tilespmem:v19+s18+$0x0], $0xffff;
	v19 =	vand.u32 $0xFFFF0000, v29;
	v29 =	vshll.u32 v29, $0x10  }
0x173: {  	v34 =	vmul.f32 v19, v12;
	v29 =	vmul.f32 v29, v12;
	v19 =	vshll.u32 v28, $0x10;
	[tilespmem:v9+s24+$0x0] =	vst.idx.add.f32.msk $0xffff, v31  }
0x174: {  	[tilespmem:v13+s24+$0x0] =	vst.idx.add.f32.msk $0xffff, v32;
	v28 =	vmul.f32 v19, v11  }
0x175: {  	v31 =	vand.u32 $0xFFFF0000, v26;
	v19 =	vshll.u32 v26, $0x10;
	v26 =	vand.u32 $0xFFFF0000, v30;
	[tilespmem:v9+s25+$0x0] =	vst.idx.add.f32.msk $0xffff, v27  }
0x176: {  	v19 =	vmul.f32 v19, v6;
	v26 =	vmul.f32 v26, v7;
	v24 =	vld.idx.msk [tilespmem:v24+s18+$0x0], $0xffff  }
0x177: {  	v27 =	vshll.u32 v30, $0x10;
	[tilespmem:v8+s24+$0x0] =	vst.idx.add.f32.msk $0xffff, v34  }
0x178: {  	v27 =	vmul.f32 v27, v7;
	v30 =	vand.u32 $0xFFFF0000, v33;
	v32 =	vshll.u32 v33, $0x10;
	[tilespmem:v8+s25+$0x0] =	vst.idx.add.f32.msk $0xffff, v29  }
0x179: {  	v29 =	vld.idx.msk [tilespmem:v23+s18+$0x0], $0xffff  }
0x17a: {  	v33 =	vld.idx.msk [tilespmem:v17+s2+$0x0], $0xffff  }
0x17b: {  	v32 =	vmul.f32 v32, v21;
	[tilespmem:v13+s25+$0x0] =	vst.idx.add.f32.msk $0xffff, v28  }
0x17c: {  	v21 =	vmul.f32 v30, v21;
	v23 =	vshll.u32 v24, $0x10;
	[tilespmem:v4+s24+$0x0] =	vst.idx.add.f32.msk $0xffff, v26;
	v26 =	vand.u32 $0xFFFF0000, v24  }
0x17d: {  	v24 =	vmul.f32 v31, v6;
	v23 =	vmul.f32 v23, v20;
	[tilespmem:v4+s25+$0x0] =	vst.idx.add.f32.msk $0xffff, v27  }
0x17e: {  	[tilespmem:v22+s26+$0x0] =	vst.idx.add.f32.msk $0xffff, v21  }
0x17f: {  	v21 =	vshll.u32 v29, $0x10;
	[tilespmem:v22+s28+$0x0] =	vst.idx.add.f32.msk $0xffff, v32;
	v22 =	vand.u32 $0xFFFF0000, v29  }
.Ltmp2:
0x180: {  	v27 =	vand.u32 $0xFFFF0000, v33;
	v28 =	vshll.u32 v33, $0x10;
	[tilespmem:v5+s24+$0x0] =	vst.idx.add.f32.msk $0xffff, v24;
	v24 =	vmul.f32 v26, v20;
	(pc) =	sbr.rel @p0 .LBB2_7-.Ltmp2, $4  }
0x181: {  	v26 =	vmul.f32 v27, v10;
	v27 =	vmul.f32 v28, v10;
	v20 =	vld.idx.msk [tilespmem:v25+s18+$0x0], $0xffff  }
0x182: {  	[tilespmem:v9+s26+$0x0] =	vst.idx.add.f32.msk $0xffff, v24  }
0x183: {  	[tilespmem:v3+s24+$0x0] =	vst.idx.add.f32.msk $0xffff, v26  }
0x184: {  	[tilespmem:v3+s25+$0x0] =	vst.idx.add.f32.msk $0xffff, v27  }
0x185: {  	_ =	sdelay $0x3  }
0x186: {  	v17 =	vld.idx.msk [tilespmem:v17+s18+$0x0], $0xffff  }
0x187: {  	[tilespmem:v9+s28+$0x0] =	vst.idx.add.f32.msk $0xffff, v23  }
0x188: {  	[tilespmem:v5+s25+$0x0] =	vst.idx.add.f32.msk $0xffff, v19  }
0x189: {  	v24 =	vand.u32 $0xFFFF0000, v18;
	v45 =	vmul.f32 v22, v12;
	v14 =	vld.idx.msk [tilespmem:v14+s18+$0x0], $0xffff  }
0x18a: {  	v44 =	vshll.u32 v18, $0x10;
	v24 =	vmul.f32 v24, v2;
	v16 =	vld.idx.msk [tilespmem:v16+s18+$0x0], $0xffff  }
0x18b: {  	v9 =	vmul.f32 v44, v2;
	[tilespmem:v8+s26+$0x0] =	vst.idx.add.f32.msk $0xffff, v45  }
0x18c: {  	[tilespmem:v1+s24+$0x0] =	vst.idx.add.f32.msk $0xffff, v24  }
0x18d: {  	v46 =	vmul.f32 v21, v12;
	v48 =	vand.u32 $0xFFFF0000, v20;
	[tilespmem:v1+s25+$0x0] =	vst.idx.add.f32.msk $0xffff, v9  }
0x18e: {  	v49 =	vshll.u32 v20, $0x10;
	v47 =	vld.idx.msk [tilespmem:v15+s18+$0x0], $0xffff;
	v15 =	vmul.f32 v48, v11  }
0x18f: {  	v51 =	vmul.f32 v49, v11;
	[tilespmem:v8+s28+$0x0] =	vst.idx.add.f32.msk $0xffff, v46;
	v50 =	vand.u32 $0xFFFF0000, v17  }
0x190: {  	v52 =	vmul.f32 v50, v10;
	v53 =	vand.u32 $0xFFFF0000, v16;
	[tilespmem:v13+s26+$0x0] =	vst.idx.add.f32.msk $0xffff, v15  }
0x191: {  	v54 =	vshll.u32 v17, $0x10;
	v55 =	vmul.f32 v53, v6;
	[tilespmem:v13+s28+$0x0] =	vst.idx.add.f32.msk $0xffff, v51  }
0x192: {  	v56 =	vmul.f32 v54, v10;
	v59 =	vshll.u32 v16, $0x10;
	[tilespmem:v3+s26+$0x0] =	vst.idx.add.f32.msk $0xffff, v52  }
0x193: {  	s0 =	sadd.s32 $0x1, s0;
	v58 =	vand.u32 $0xFFFF0000, v14;
	v60 =	vmul.f32 v59, v6;
	[tilespmem:v5+s26+$0x0] =	vst.idx.add.f32.msk $0xffff, v55  }
0x194: {  	p0 =	sne.s32 s0, $0x29;
	v61 =	vshll.u32 v14, $0x10;
	[tilespmem:v3+s28+$0x0] =	vst.idx.add.f32.msk $0xffff, v56;
	v3 =	vmul.f32 v58, v7  }
.Ltmp3:
0x195: {  	v63 =	vmul.f32 v61, v7;
	v57 =	vand.u32 $0xFFFF0000, v47;
	[tilespmem:v5+s28+$0x0] =	vst.idx.add.f32.msk $0xffff, v60;
	(pc) =	sbr.rel @p0 .LBB2_4-.Ltmp3, $4  }
0x196: {  	v62 =	vshll.u32 v47, $0x10;
	v9 =	vmul.f32 v57, v2;
	[tilespmem:v4+s26+$0x0] =	vst.idx.add.f32.msk $0xffff, v3  }
0x197: {  	v2 =	vmul.f32 v62, v2;
	[tilespmem:v4+s28+$0x0] =	vst.idx.add.f32.msk $0xffff, v63  }
0x198: {  	[tilespmem:v1+s26+$0x0] =	vst.idx.add.f32.msk $0xffff, v9  }
0x199: {  	[tilespmem:v1+s28+$0x0] =	vst.idx.add.f32.msk $0xffff, v2  }
0x19a: {  	[hbm4b:s12+s2] =	stream.linear.scatter [tilespmem:s24], [sflag:$0x5], $0x4000, $0x38;
	[tilespmem:$0x1B000] =	vst v63  }
0x19b: {  	_ =	swait.ge [sflag:s17], $0x4000  }
0x19c: {  	[sflag:s17] =	ssyncset.done $0x0  }
0x19d: {  	[sflag:s17] =	ssyncadd.s32 $0xFFFFC000  }
0x19e: {  	[hbm4b:s13+s2] =	stream.linear.scatter [tilespmem:s25], [sflag:$0x5], $0x4000, $0x38;
	[tilespmem:$0x1B000] =	vst v63  }
0x19f: {  	_ =	swait.ge [sflag:s17], $0x4000  }
0x1a0: {  	[sflag:s17] =	ssyncset.done $0x0  }
0x1a1: {  	[sflag:s17] =	ssyncadd.s32 $0xFFFFC000  }
0x1a2: {  	[hbm4b:s14+s2] =	stream.linear.scatter [tilespmem:s26], [sflag:$0x5], $0x4000, $0x38;
	[tilespmem:$0x1B000] =	vst v63  }
0x1a3: {  	s31 =	sadd.s32 $0x1, s31;
	_ =	swait.ge [sflag:s17], $0x4000  }
0x1a4: {  	p0 =	sne.s32 s31, s16;
	[sflag:s17] =	ssyncset.done $0x0  }
.Ltmp4:
0x1a5: {  	[sflag:s17] =	ssyncadd.s32 $0xFFFFC000;
	(pc) =	sbr.rel @p0 .LBB2_1-.Ltmp4, $4  }
0x1a6: {  	[hbm4b:s15+s2] =	stream.linear.scatter [tilespmem:s28], [sflag:$0x5], $0x4000, $0x38;
	[tilespmem:$0x1B000] =	vst v63  }
0x1a7: {  	_ =	swait.ge [sflag:s17], $0x4000  }
0x1a8: {  	[sflag:s17] =	ssyncset.done $0x0  }
0x1a9: {  	[sflag:s17] =	ssyncadd.s32 $0xFFFFC000  }
0x1aa: {  	_ =	sfence.sel $0x180000  }
0x1ab: {  	[bflag:$0x0] =	sbarrier.arrive $0xFFFF  }
0x1ac: {  	_ =	strace $0x90000047  }
0x1ad: {  	s0 =	stileid.u32;
	[bflag:$0x2] =	sbarrier.arrive $0xFFFF  }
0x1ae: {  	p0 =	sne.s32 s0, $0x0;
	s0 =	rddreg [dreg:$0x2]  }
0x1af: {  	s0 =	sadd.s32 @!p0 $0x100000, s0  }
0x1b0: {  	[sflag:s0] =	ssyncadd.tile.s32 @!p0 $0x1;
	_ =	shalt  }
.Lfunc_end2:
_tile_overlayer_lowered:
.L_overlay_start_2:
0x1b1: {  	(tag) =	ssettag $0x2  }
0x1b2: {  	s0 =	rddreg [dreg:$0x0];
	s2 =	stileid.u32  }
0x1b3: {  	s1 =	rddreg [dreg:$0x1];
	p0 =	sne.s32 s2, $0x0  }
0x1b4: {  	s3 =	rddreg [dreg:$0x2];
	[bflag:$0x3] =	sbarrier.arrive $0xFFFF;
	s2 =	simm.s32 @!p0 $0x1C05  }
0x1b5: {  	[timem:s3], [sflag:s2] =	dma.local @!p0 [hbm:s0], s1  }
0x1b6: {  	s0 =	simm.s32 @!p0 $0x5  }
0x1b7: {  	_ =	swait.ge @!p0 [sflag:s0], s1  }
0x1b8: {  	s1 =	ssub.s32 @!p0 $0x0, s1;
	[sflag:s0] =	ssyncset.done @!p0 $0x0  }
0x1b9: {  	[sflag:s0] =	ssyncadd.s32 @!p0 s1  }
0x1ba: {  	[bflag:$0x3] =	sbarrier.arrive $0xFFFF  }
0x1bb: {  	_ =	shalt  }

</sc_bundles>
